<compile_context>
chip_gen: v7x
topology: tpu7x:2x2x1
jax: 0.10.2.dev20260603
libtpu: 0.0.44.dev20260713+nightly
codegen_flags: <defaults>
</compile_context>

<pallas_src>
import functools

import jax
import jax.numpy as jnp
from jax import lax
from jax.experimental import pallas as pl
from jax.experimental.pallas import tpu as pltpu
from jax.experimental.pallas import tpu_sc as plsc

K_TOP = 32
_L = 16
_CH = 16
_NC = 2
_NS = 16


def _enc_body(x_ref, w_ref, b_ref, out_ref):
    acc = jax.lax.dot_general(
        x_ref[...], w_ref[...], (((1,), (1,)), ((), ())),
        preferred_element_type=jnp.float32)
    out_ref[...] = jnp.maximum(acc + b_ref[0, :][None, :], 0.0)


def _topk_sc_body(pre_hbm, h_hbm, row_v, h_v, chunkv, chunki, sem, *, H, k,
                  num_cores):
    wid = lax.axis_index("s") * num_cores + lax.axis_index("c")
    cp = pltpu.async_copy(pre_hbm.at[wid], row_v, sem)

    zeros16 = jnp.zeros((_L,), jnp.float32)

    def zbody(j, c):
        h_v[pl.ds(j * _L, _L)] = zeros16
        return c

    lax.fori_loop(0, H // _L, zbody, 0)
    cp.wait()

    iota16 = lax.iota(jnp.int32, _L)
    csz = H // _CH
    nv = csz // _L

    for c in range(_CH):
        base = c * csz

        def p1(j, carry, base=base):
            bv, bi = carry
            off = base + j * _L
            v = row_v[pl.ds(off, _L)]
            take = v > bv
            return (jnp.where(take, v, bv),
                    jnp.where(take, off + iota16, bi))

        bv, bi = lax.fori_loop(
            1, nv, p1, (row_v[pl.ds(base, _L)], base + iota16))
        chunkv[pl.ds(c * _L, _L)] = bv
        chunki[pl.ds(c * _L, _L)] = bi

    big = jnp.int32(1 << 30)
    lane0 = iota16 == 0

    def _perm(v, perm):
        return v.at[perm].get(mode="promise_in_bounds")

    def _bfly(v, op):
        for s in (8, 4, 2, 1):
            v = op(v, _perm(v, iota16 ^ s))
        return v

    def emit(t, carry):
        bv = chunkv[pl.ds(0, _L)]
        bi = chunki[pl.ds(0, _L)]
        for c in range(1, _CH):
            v = chunkv[pl.ds(c * _L, _L)]
            i = chunki[pl.ds(c * _L, _L)]
            take = (v > bv) | ((v == bv) & (i < bi))
            bv = jnp.where(take, v, bv)
            bi = jnp.where(take, i, bi)
        m = _bfly(bv, jnp.maximum)
        idx = _bfly(jnp.where(bv == m, bi, big), jnp.minimum)
        plsc.store_scatter(h_v, [idx], m, mask=lane0)
        plsc.store_scatter(row_v, [idx], jnp.full((_L,), -1.0, jnp.float32),
                           mask=lane0)
        base = (idx // csz) * csz + idx % _L
        gv = gi = None
        for g in range(nv // _L):
            ii = base + _L * (iota16 + _L * g)
            vv = plsc.load_gather(row_v, [ii])
            if gv is None:
                gv, gi = vv, ii
            else:
                take = (vv > gv) | ((vv == gv) & (ii < gi))
                gv = jnp.where(take, vv, gv)
                gi = jnp.where(take, ii, gi)
        m2 = _bfly(gv, jnp.maximum)
        i2 = _bfly(jnp.where(gv == m2, gi, big), jnp.minimum)
        pos = (idx // csz) * _L + idx % _L
        plsc.store_scatter(chunkv, [pos], m2, mask=lane0)
        plsc.store_scatter(chunki, [pos], i2, mask=lane0)
        return carry

    lax.fori_loop(0, k, emit, 0)
    pltpu.sync_copy(h_v, h_hbm.at[wid])


def _topk_sc(pre, *, B, H, k):
    mesh = plsc.VectorSubcoreMesh(core_axis_name="c", subcore_axis_name="s",
                                  num_cores=_NC, num_subcores=_NS)
    return pl.kernel(
        functools.partial(_topk_sc_body, H=H, k=k, num_cores=_NC),
        out_type=jax.ShapeDtypeStruct((B, H), jnp.float32),
        mesh=mesh,
        compiler_params=pltpu.CompilerParams(
            needs_layout_passes=False, disable_bounds_checks=True,
            skip_device_barrier=True),
        scratch_types=[
            pltpu.VMEM((H,), jnp.float32),
            pltpu.VMEM((H,), jnp.float32),
            pltpu.VMEM((_CH * _L,), jnp.float32),
            pltpu.VMEM((_CH * _L,), jnp.int32),
            pltpu.SemaphoreType.DMA,
        ],
    )(pre)


def _dec_body(h_ref, w_ref, b_ref, out_ref, *, B, D):
    @pl.when(pl.program_id(0) == 0)
    def _():
        out_ref[...] = jnp.broadcast_to(b_ref[0, :][None, :], (B, D))

    out_ref[...] += jax.lax.dot_general(
        h_ref[...], w_ref[...], (((1,), (1,)), ((), ())),
        preferred_element_type=jnp.float32)


def kernel(x, W_enc, b_enc, W_dec, b_dec):
    B, D = x.shape
    H = W_enc.shape[0]
    k = max(0, min(K_TOP, H))
    BH = 1024

    pre = pl.pallas_call(
        _enc_body,
        grid=(H // BH,),
        in_specs=[
            pl.BlockSpec((B, D), lambda j: (0, 0)),
            pl.BlockSpec((BH, D), lambda j: (j, 0)),
            pl.BlockSpec((1, BH), lambda j: (0, j)),
        ],
        out_specs=pl.BlockSpec((B, BH), lambda j: (0, j)),
        out_shape=jax.ShapeDtypeStruct((B, H), jnp.float32),
    )(x, W_enc, b_enc.reshape(1, H))

    h = _topk_sc(pre, B=B, H=H, k=k)

    x_hat = pl.pallas_call(
        functools.partial(_dec_body, B=B, D=D),
        grid=(H // BH,),
        in_specs=[
            pl.BlockSpec((B, BH), lambda j: (0, j)),
            pl.BlockSpec((D, BH), lambda j: (0, j)),
            pl.BlockSpec((1, D), lambda j: (0, 0)),
        ],
        out_specs=pl.BlockSpec((B, D), lambda j: (0, 0)),
        out_shape=jax.ShapeDtypeStruct((B, D), jnp.float32),
    )(h, W_dec, b_dec.reshape(1, D))

    return (h, x_hat)

# --- scband reference (transcript-rebuilt; emitter-appended) ---
"""Pipeline reference for scband-sparse-autoencoder-66812511256585 (READ-ONLY COPY).

The authoritative reference and input builder live on the scoring server;
editing this copy changes nothing except your own understanding.
"""

import jax, jax.numpy as jnp
import numpy as np

B, D, H, K = 32, 2048, 16384, 32


def setup_inputs(seed: int = 0) -> dict:
    key = jax.random.key(seed)
    k1, k2, k3, k4 = jax.random.split(key, 4)
    x = jax.random.normal(k1, (B, D), dtype=jnp.float32)
    # torch nn.Linear stores weight as [out_features, in_features]
    W_enc = jax.random.normal(k2, (H, D), dtype=jnp.float32) * (1.0 / np.sqrt(D))
    b_enc = jax.random.normal(k3, (H,), dtype=jnp.float32) * 0.01
    W_dec = jax.random.normal(k4, (D, H), dtype=jnp.float32) * (1.0 / np.sqrt(H))
    b_dec = jnp.zeros((D,), dtype=jnp.float32)
    return {"x": x, "W_enc": W_enc, "b_enc": b_enc, "W_dec": W_dec, "b_dec": b_dec}


def reference(x, W_enc, b_enc, W_dec, b_dec):
    # encoder + relu
    pre = jax.nn.relu(x @ W_enc.T + b_enc)
    # top-k mask: k = max(0, min(k_top, hidden))
    k = max(0, min(K, pre.shape[1]))
    _, idx = jax.lax.top_k(pre, k)
    rows = jnp.arange(pre.shape[0])[:, None]
    mask = jnp.zeros_like(pre).at[rows, idx].set(1.0)
    h = pre * mask
    # decoder
    x_hat = h @ W_dec.T + b_dec
    return (h, x_hat)

if __name__ == "__main__":
    import jax
    _d = setup_inputs()
    print(jax.jit(kernel)(*tuple(_d.values())))

</pallas_src>

<mosaic_0001>
#map = affine_map<(d0, d1) -> (0, 0)>
module attributes {stable_mosaic.version = 14 : i64} {
  func.func @_topk_sc_body(%arg0: i32, %arg1: i32, %arg2: memref<32x16384xf32, #tpu.memory_space<hbm>>, %arg3: memref<32x16384xf32, #tpu.memory_space<hbm>>, %arg4: memref<16384xf32, #tpu.memory_space<vmem>>, %arg5: memref<16384xf32, #tpu.memory_space<vmem>>, %arg6: memref<256xf32, #tpu.memory_space<vmem>>, %arg7: memref<256xi32, #tpu.memory_space<vmem>>, %arg8: memref<!tpu.dma_semaphore, #tpu.memory_space<semaphore_mem>>) attributes {dimension_semantics = [#tpu.dimension_semantics<core_parallel>, #tpu.dimension_semantics<subcore_parallel>], iteration_bounds = array<i64: 2, 16>, scalar_prefetch = 0 : i64, scratch_operands = 5 : i64, tpu.core_type = #tpu.core_type<sc_vector_subcore>, window_params = [{transform_indices = #map}, {transform_indices = #map}]} {
    %mul3A = arith.constant 2 : i32
    %mul3A_0 = arith.muli %arg1, %mul3A : i32
    %add3A = arith.addi %mul3A_0, %arg0 : i32
    %dma_start3A = arith.constant 0 : i32
    %dma_start3A_1 = tpu.memref_slice %arg2[%add3A, %dma_start3A] : memref<32x16384xf32, #tpu.memory_space<hbm>> -> memref<1x16384xf32, #tpu.memory_space<hbm>>
    %dma_start3A_2 = tpu.memref_squeeze %dma_start3A_1 : memref<1x16384xf32, #tpu.memory_space<hbm>> -> memref<16384xf32, #tpu.memory_space<hbm>>
    %dma_start3A_3 = arith.constant 0 : i32
    %dma_start3A_4 = tpu.memref_slice %arg2[%add3A, %dma_start3A_3] : memref<32x16384xf32, #tpu.memory_space<hbm>> -> memref<1x16384xf32, #tpu.memory_space<hbm>>
    %dma_start3A_5 = tpu.memref_squeeze %dma_start3A_4 : memref<1x16384xf32, #tpu.memory_space<hbm>> -> memref<16384xf32, #tpu.memory_space<hbm>>
    tpu.enqueue_dma source(%dma_start3A_5 : memref<16384xf32, #tpu.memory_space<hbm>>) target(%arg4 : memref<16384xf32, #tpu.memory_space<vmem>>) target_semaphore(%arg8 : memref<!tpu.dma_semaphore, #tpu.memory_space<semaphore_mem>>)
    %broadcast_in_dim3A = arith.constant 0.000000e+00 : f32
    %broadcast_in_dim3A_6 = vector.broadcast %broadcast_in_dim3A : f32 to vector<16xf32>
    %scan3A = arith.constant 0 : i32
    %scan3A_7 = arith.constant 0 : i32
    %scan3A_8 = arith.constant 1024 : i32
    %scan3A_9 = arith.addi %scan3A_7, %scan3A_8 : i32
    %scan3A_10 = arith.constant 1 : i32
    scf.for %scan3A_264 = %scan3A_7 to %scan3A_9 step %scan3A_10  : i32 {
      %mul3A_265 = arith.constant 16 : i32
      %mul3A_266 = arith.muli %scan3A_264, %mul3A_265 : i32
      %swap3A_267 = arith.index_cast %mul3A_266 : i32 to index
      %swap3A_268 = tpu.vector_load %arg5[%swap3A_267] {strides = array<i32>} : memref<16384xf32, #tpu.memory_space<vmem>>, vector<16xf32>,
      tpu.vector_store %arg5[%swap3A_267], %broadcast_in_dim3A_6 {strides = array<i32>} : memref<16384xf32, #tpu.memory_space<vmem>>, vector<16xf32>,
    }
    %scan3A_11 = arith.constant 1024 : i32
    %dma_wait3A = arith.constant 0 : i32
    %dma_wait3A_12 = tpu.memref_slice %arg2[%add3A, %dma_wait3A] : memref<32x16384xf32, #tpu.memory_space<hbm>> -> memref<1x16384xf32, #tpu.memory_space<hbm>>
    %dma_wait3A_13 = tpu.memref_squeeze %dma_wait3A_12 : memref<1x16384xf32, #tpu.memory_space<hbm>> -> memref<16384xf32, #tpu.memory_space<hbm>>
    %dma_wait3A_14 = arith.constant 0 : i32
    %dma_wait3A_15 = tpu.memref_slice %arg2[%add3A, %dma_wait3A_14] : memref<32x16384xf32, #tpu.memory_space<hbm>> -> memref<1x16384xf32, #tpu.memory_space<hbm>>
    %dma_wait3A_16 = tpu.memref_squeeze %dma_wait3A_15 : memref<1x16384xf32, #tpu.memory_space<hbm>> -> memref<16384xf32, #tpu.memory_space<hbm>>
    tpu.wait_dma2 semaphore(%arg8 : memref<!tpu.dma_semaphore, #tpu.memory_space<semaphore_mem>>) src(%dma_wait3A_16 : memref<16384xf32, #tpu.memory_space<hbm>>) dst(%arg4 : memref<16384xf32, #tpu.memory_space<vmem>>)
    %iota3A = tpu.iota {dimensions = array<i32: 0>} : vector<16xi32>
    %get3A = arith.constant 0 : index
    %get3A_17 = tpu.vector_load %arg4[%get3A] {strides = array<i32>} : memref<16384xf32, #tpu.memory_space<vmem>>, vector<16xf32>,
    %add3A_18 = arith.constant 0 : i32
    %add3A_19 = vector.broadcast %add3A_18 : i32 to vector<16xi32>
    %add3A_20 = arith.addi %add3A_19, %iota3A : vector<16xi32>
    %scan3A_21 = arith.constant 1 : i32
    %scan3A_22 = arith.constant 63 : i32
    %scan3A_23 = arith.addi %scan3A_21, %scan3A_22 : i32
    %scan3A_24 = arith.constant 1 : i32
    %scan3A_25:2 = scf.for %scan3A_264 = %scan3A_21 to %scan3A_23 step %scan3A_24 iter_args(%scan3A_265 = %get3A_17, %scan3A_266 = %add3A_20) -> (vector<16xf32>, vector<16xi32>)  : i32 {
      %mul3A_267 = arith.constant 16 : i32
      %mul3A_268 = arith.muli %scan3A_264, %mul3A_267 : i32
      %add3A_269 = arith.constant 0 : i32
      %add3A_270 = arith.addi %add3A_269, %mul3A_268 : i32
      %get3A_271 = arith.index_cast %add3A_270 : i32 to index
      %get3A_272 = tpu.vector_load %arg4[%get3A_271] {strides = array<i32>} : memref<16384xf32, #tpu.memory_space<vmem>>, vector<16xf32>,
      %gt3A = arith.cmpf ogt, %get3A_272, %scan3A_265 : vector<16xf32>
      %select_n3A = arith.select %gt3A, %get3A_272, %scan3A_265 : vector<16xi1>, vector<16xf32>
      %add3A_273 = vector.broadcast %add3A_270 : i32 to vector<16xi32>
      %add3A_274 = arith.addi %add3A_273, %iota3A : vector<16xi32>
      %select_n3A_275 = arith.select %gt3A, %add3A_274, %scan3A_266 : vector<16xi1>, vector<16xi32>
      scf.yield %select_n3A, %select_n3A_275 : vector<16xf32>, vector<16xi32>
    }
    %scan3A_26 = arith.constant 63 : i32
    %swap3A = arith.constant 0 : index
    %swap3A_27 = tpu.vector_load %arg6[%swap3A] {strides = array<i32>} : memref<256xf32, #tpu.memory_space<vmem>>, vector<16xf32>,
    tpu.vector_store %arg6[%swap3A], %scan3A_25#0 {strides = array<i32>} : memref<256xf32, #tpu.memory_space<vmem>>, vector<16xf32>,
    %swap3A_28 = arith.constant 0 : index
    %swap3A_29 = tpu.vector_load %arg7[%swap3A_28] {strides = array<i32>} : memref<256xi32, #tpu.memory_space<vmem>>, vector<16xi32>,
    tpu.vector_store %arg7[%swap3A_28], %scan3A_25#1 {strides = array<i32>} : memref<256xi32, #tpu.memory_space<vmem>>, vector<16xi32>,
    %get3A_30 = arith.constant 1024 : index
    %get3A_31 = tpu.vector_load %arg4[%get3A_30] {strides = array<i32>} : memref<16384xf32, #tpu.memory_space<vmem>>, vector<16xf32>,
    %add3A_32 = arith.constant 1024 : i32
    %add3A_33 = vector.broadcast %add3A_32 : i32 to vector<16xi32>
    %add3A_34 = arith.addi %add3A_33, %iota3A : vector<16xi32>
    %scan3A_35 = arith.constant 1 : i32
    %scan3A_36 = arith.constant 63 : i32
    %scan3A_37 = arith.addi %scan3A_35, %scan3A_36 : i32
    %scan3A_38 = arith.constant 1 : i32
    %scan3A_39:2 = scf.for %scan3A_264 = %scan3A_35 to %scan3A_37 step %scan3A_38 iter_args(%scan3A_265 = %get3A_31, %scan3A_266 = %add3A_34) -> (vector<16xf32>, vector<16xi32>)  : i32 {
      %mul3A_267 = arith.constant 16 : i32
      %mul3A_268 = arith.muli %scan3A_264, %mul3A_267 : i32
      %add3A_269 = arith.constant 1024 : i32
      %add3A_270 = arith.addi %add3A_269, %mul3A_268 : i32
      %get3A_271 = arith.index_cast %add3A_270 : i32 to index
      %get3A_272 = tpu.vector_load %arg4[%get3A_271] {strides = array<i32>} : memref<16384xf32, #tpu.memory_space<vmem>>, vector<16xf32>,
      %gt3A = arith.cmpf ogt, %get3A_272, %scan3A_265 : vector<16xf32>
      %select_n3A = arith.select %gt3A, %get3A_272, %scan3A_265 : vector<16xi1>, vector<16xf32>
      %add3A_273 = vector.broadcast %add3A_270 : i32 to vector<16xi32>
      %add3A_274 = arith.addi %add3A_273, %iota3A : vector<16xi32>
      %select_n3A_275 = arith.select %gt3A, %add3A_274, %scan3A_266 : vector<16xi1>, vector<16xi32>
      scf.yield %select_n3A, %select_n3A_275 : vector<16xf32>, vector<16xi32>
    }
    %scan3A_40 = arith.constant 63 : i32
    %swap3A_41 = arith.constant 16 : index
    %swap3A_42 = tpu.vector_load %arg6[%swap3A_41] {strides = array<i32>} : memref<256xf32, #tpu.memory_space<vmem>>, vector<16xf32>,
    tpu.vector_store %arg6[%swap3A_41], %scan3A_39#0 {strides = array<i32>} : memref<256xf32, #tpu.memory_space<vmem>>, vector<16xf32>,
    %swap3A_43 = arith.constant 16 : index
    %swap3A_44 = tpu.vector_load %arg7[%swap3A_43] {strides = array<i32>} : memref<256xi32, #tpu.memory_space<vmem>>, vector<16xi32>,
    tpu.vector_store %arg7[%swap3A_43], %scan3A_39#1 {strides = array<i32>} : memref<256xi32, #tpu.memory_space<vmem>>, vector<16xi32>,
    %get3A_45 = arith.constant 2048 : index
    %get3A_46 = tpu.vector_load %arg4[%get3A_45] {strides = array<i32>} : memref<16384xf32, #tpu.memory_space<vmem>>, vector<16xf32>,
    %add3A_47 = arith.constant 2048 : i32
    %add3A_48 = vector.broadcast %add3A_47 : i32 to vector<16xi32>
    %add3A_49 = arith.addi %add3A_48, %iota3A : vector<16xi32>
    %scan3A_50 = arith.constant 1 : i32
    %scan3A_51 = arith.constant 63 : i32
    %scan3A_52 = arith.addi %scan3A_50, %scan3A_51 : i32
    %scan3A_53 = arith.constant 1 : i32
    %scan3A_54:2 = scf.for %scan3A_264 = %scan3A_50 to %scan3A_52 step %scan3A_53 iter_args(%scan3A_265 = %get3A_46, %scan3A_266 = %add3A_49) -> (vector<16xf32>, vector<16xi32>)  : i32 {
      %mul3A_267 = arith.constant 16 : i32
      %mul3A_268 = arith.muli %scan3A_264, %mul3A_267 : i32
      %add3A_269 = arith.constant 2048 : i32
      %add3A_270 = arith.addi %add3A_269, %mul3A_268 : i32
      %get3A_271 = arith.index_cast %add3A_270 : i32 to index
      %get3A_272 = tpu.vector_load %arg4[%get3A_271] {strides = array<i32>} : memref<16384xf32, #tpu.memory_space<vmem>>, vector<16xf32>,
      %gt3A = arith.cmpf ogt, %get3A_272, %scan3A_265 : vector<16xf32>
      %select_n3A = arith.select %gt3A, %get3A_272, %scan3A_265 : vector<16xi1>, vector<16xf32>
      %add3A_273 = vector.broadcast %add3A_270 : i32 to vector<16xi32>
      %add3A_274 = arith.addi %add3A_273, %iota3A : vector<16xi32>
      %select_n3A_275 = arith.select %gt3A, %add3A_274, %scan3A_266 : vector<16xi1>, vector<16xi32>
      scf.yield %select_n3A, %select_n3A_275 : vector<16xf32>, vector<16xi32>
    }
    %scan3A_55 = arith.constant 63 : i32
    %swap3A_56 = arith.constant 32 : index
    %swap3A_57 = tpu.vector_load %arg6[%swap3A_56] {strides = array<i32>} : memref<256xf32, #tpu.memory_space<vmem>>, vector<16xf32>,
    tpu.vector_store %arg6[%swap3A_56], %scan3A_54#0 {strides = array<i32>} : memref<256xf32, #tpu.memory_space<vmem>>, vector<16xf32>,
    %swap3A_58 = arith.constant 32 : index
    %swap3A_59 = tpu.vector_load %arg7[%swap3A_58] {strides = array<i32>} : memref<256xi32, #tpu.memory_space<vmem>>, vector<16xi32>,
    tpu.vector_store %arg7[%swap3A_58], %scan3A_54#1 {strides = array<i32>} : memref<256xi32, #tpu.memory_space<vmem>>, vector<16xi32>,
    %get3A_60 = arith.constant 3072 : index
    %get3A_61 = tpu.vector_load %arg4[%get3A_60] {strides = array<i32>} : memref<16384xf32, #tpu.memory_space<vmem>>, vector<16xf32>,
    %add3A_62 = arith.constant 3072 : i32
    %add3A_63 = vector.broadcast %add3A_62 : i32 to vector<16xi32>
    %add3A_64 = arith.addi %add3A_63, %iota3A : vector<16xi32>
    %scan3A_65 = arith.constant 1 : i32
    %scan3A_66 = arith.constant 63 : i32
    %scan3A_67 = arith.addi %scan3A_65, %scan3A_66 : i32
    %scan3A_68 = arith.constant 1 : i32
    %scan3A_69:2 = scf.for %scan3A_264 = %scan3A_65 to %scan3A_67 step %scan3A_68 iter_args(%scan3A_265 = %get3A_61, %scan3A_266 = %add3A_64) -> (vector<16xf32>, vector<16xi32>)  : i32 {
      %mul3A_267 = arith.constant 16 : i32
      %mul3A_268 = arith.muli %scan3A_264, %mul3A_267 : i32
      %add3A_269 = arith.constant 3072 : i32
      %add3A_270 = arith.addi %add3A_269, %mul3A_268 : i32
      %get3A_271 = arith.index_cast %add3A_270 : i32 to index
      %get3A_272 = tpu.vector_load %arg4[%get3A_271] {strides = array<i32>} : memref<16384xf32, #tpu.memory_space<vmem>>, vector<16xf32>,
      %gt3A = arith.cmpf ogt, %get3A_272, %scan3A_265 : vector<16xf32>
      %select_n3A = arith.select %gt3A, %get3A_272, %scan3A_265 : vector<16xi1>, vector<16xf32>
      %add3A_273 = vector.broadcast %add3A_270 : i32 to vector<16xi32>
      %add3A_274 = arith.addi %add3A_273, %iota3A : vector<16xi32>
      %select_n3A_275 = arith.select %gt3A, %add3A_274, %scan3A_266 : vector<16xi1>, vector<16xi32>
      scf.yield %select_n3A, %select_n3A_275 : vector<16xf32>, vector<16xi32>
    }
    %scan3A_70 = arith.constant 63 : i32
    %swap3A_71 = arith.constant 48 : index
    %swap3A_72 = tpu.vector_load %arg6[%swap3A_71] {strides = array<i32>} : memref<256xf32, #tpu.memory_space<vmem>>, vector<16xf32>,
    tpu.vector_store %arg6[%swap3A_71], %scan3A_69#0 {strides = array<i32>} : memref<256xf32, #tpu.memory_space<vmem>>, vector<16xf32>,
    %swap3A_73 = arith.constant 48 : index
    %swap3A_74 = tpu.vector_load %arg7[%swap3A_73] {strides = array<i32>} : memref<256xi32, #tpu.memory_space<vmem>>, vector<16xi32>,
    tpu.vector_store %arg7[%swap3A_73], %scan3A_69#1 {strides = array<i32>} : memref<256xi32, #tpu.memory_space<vmem>>, vector<16xi32>,
    %get3A_75 = arith.constant 4096 : index
    %get3A_76 = tpu.vector_load %arg4[%get3A_75] {strides = array<i32>} : memref<16384xf32, #tpu.memory_space<vmem>>, vector<16xf32>,
    %add3A_77 = arith.constant 4096 : i32
    %add3A_78 = vector.broadcast %add3A_77 : i32 to vector<16xi32>
    %add3A_79 = arith.addi %add3A_78, %iota3A : vector<16xi32>
    %scan3A_80 = arith.constant 1 : i32
    %scan3A_81 = arith.constant 63 : i32
    %scan3A_82 = arith.addi %scan3A_80, %scan3A_81 : i32
    %scan3A_83 = arith.constant 1 : i32
    %scan3A_84:2 = scf.for %scan3A_264 = %scan3A_80 to %scan3A_82 step %scan3A_83 iter_args(%scan3A_265 = %get3A_76, %scan3A_266 = %add3A_79) -> (vector<16xf32>, vector<16xi32>)  : i32 {
      %mul3A_267 = arith.constant 16 : i32
      %mul3A_268 = arith.muli %scan3A_264, %mul3A_267 : i32
      %add3A_269 = arith.constant 4096 : i32
      %add3A_270 = arith.addi %add3A_269, %mul3A_268 : i32
      %get3A_271 = arith.index_cast %add3A_270 : i32 to index
      %get3A_272 = tpu.vector_load %arg4[%get3A_271] {strides = array<i32>} : memref<16384xf32, #tpu.memory_space<vmem>>, vector<16xf32>,
      %gt3A = arith.cmpf ogt, %get3A_272, %scan3A_265 : vector<16xf32>
      %select_n3A = arith.select %gt3A, %get3A_272, %scan3A_265 : vector<16xi1>, vector<16xf32>
      %add3A_273 = vector.broadcast %add3A_270 : i32 to vector<16xi32>
      %add3A_274 = arith.addi %add3A_273, %iota3A : vector<16xi32>
      %select_n3A_275 = arith.select %gt3A, %add3A_274, %scan3A_266 : vector<16xi1>, vector<16xi32>
      scf.yield %select_n3A, %select_n3A_275 : vector<16xf32>, vector<16xi32>
    }
    %scan3A_85 = arith.constant 63 : i32
    %swap3A_86 = arith.constant 64 : index
    %swap3A_87 = tpu.vector_load %arg6[%swap3A_86] {strides = array<i32>} : memref<256xf32, #tpu.memory_space<vmem>>, vector<16xf32>,
    tpu.vector_store %arg6[%swap3A_86], %scan3A_84#0 {strides = array<i32>} : memref<256xf32, #tpu.memory_space<vmem>>, vector<16xf32>,
    %swap3A_88 = arith.constant 64 : index
    %swap3A_89 = tpu.vector_load %arg7[%swap3A_88] {strides = array<i32>} : memref<256xi32, #tpu.memory_space<vmem>>, vector<16xi32>,
    tpu.vector_store %arg7[%swap3A_88], %scan3A_84#1 {strides = array<i32>} : memref<256xi32, #tpu.memory_space<vmem>>, vector<16xi32>,
    %get3A_90 = arith.constant 5120 : index
    %get3A_91 = tpu.vector_load %arg4[%get3A_90] {strides = array<i32>} : memref<16384xf32, #tpu.memory_space<vmem>>, vector<16xf32>,
    %add3A_92 = arith.constant 5120 : i32
    %add3A_93 = vector.broadcast %add3A_92 : i32 to vector<16xi32>
    %add3A_94 = arith.addi %add3A_93, %iota3A : vector<16xi32>
    %scan3A_95 = arith.constant 1 : i32
    %scan3A_96 = arith.constant 63 : i32
    %scan3A_97 = arith.addi %scan3A_95, %scan3A_96 : i32
    %scan3A_98 = arith.constant 1 : i32
    %scan3A_99:2 = scf.for %scan3A_264 = %scan3A_95 to %scan3A_97 step %scan3A_98 iter_args(%scan3A_265 = %get3A_91, %scan3A_266 = %add3A_94) -> (vector<16xf32>, vector<16xi32>)  : i32 {
      %mul3A_267 = arith.constant 16 : i32
      %mul3A_268 = arith.muli %scan3A_264, %mul3A_267 : i32
      %add3A_269 = arith.constant 5120 : i32
      %add3A_270 = arith.addi %add3A_269, %mul3A_268 : i32
      %get3A_271 = arith.index_cast %add3A_270 : i32 to index
      %get3A_272 = tpu.vector_load %arg4[%get3A_271] {strides = array<i32>} : memref<16384xf32, #tpu.memory_space<vmem>>, vector<16xf32>,
      %gt3A = arith.cmpf ogt, %get3A_272, %scan3A_265 : vector<16xf32>
      %select_n3A = arith.select %gt3A, %get3A_272, %scan3A_265 : vector<16xi1>, vector<16xf32>
      %add3A_273 = vector.broadcast %add3A_270 : i32 to vector<16xi32>
      %add3A_274 = arith.addi %add3A_273, %iota3A : vector<16xi32>
      %select_n3A_275 = arith.select %gt3A, %add3A_274, %scan3A_266 : vector<16xi1>, vector<16xi32>
      scf.yield %select_n3A, %select_n3A_275 : vector<16xf32>, vector<16xi32>
    }
    %scan3A_100 = arith.constant 63 : i32
    %swap3A_101 = arith.constant 80 : index
    %swap3A_102 = tpu.vector_load %arg6[%swap3A_101] {strides = array<i32>} : memref<256xf32, #tpu.memory_space<vmem>>, vector<16xf32>,
    tpu.vector_store %arg6[%swap3A_101], %scan3A_99#0 {strides = array<i32>} : memref<256xf32, #tpu.memory_space<vmem>>, vector<16xf32>,
    %swap3A_103 = arith.constant 80 : index
    %swap3A_104 = tpu.vector_load %arg7[%swap3A_103] {strides = array<i32>} : memref<256xi32, #tpu.memory_space<vmem>>, vector<16xi32>,
    tpu.vector_store %arg7[%swap3A_103], %scan3A_99#1 {strides = array<i32>} : memref<256xi32, #tpu.memory_space<vmem>>, vector<16xi32>,
    %get3A_105 = arith.constant 6144 : index
    %get3A_106 = tpu.vector_load %arg4[%get3A_105] {strides = array<i32>} : memref<16384xf32, #tpu.memory_space<vmem>>, vector<16xf32>,
    %add3A_107 = arith.constant 6144 : i32
    %add3A_108 = vector.broadcast %add3A_107 : i32 to vector<16xi32>
    %add3A_109 = arith.addi %add3A_108, %iota3A : vector<16xi32>
    %scan3A_110 = arith.constant 1 : i32
    %scan3A_111 = arith.constant 63 : i32
    %scan3A_112 = arith.addi %scan3A_110, %scan3A_111 : i32
    %scan3A_113 = arith.constant 1 : i32
    %scan3A_114:2 = scf.for %scan3A_264 = %scan3A_110 to %scan3A_112 step %scan3A_113 iter_args(%scan3A_265 = %get3A_106, %scan3A_266 = %add3A_109) -> (vector<16xf32>, vector<16xi32>)  : i32 {
      %mul3A_267 = arith.constant 16 : i32
      %mul3A_268 = arith.muli %scan3A_264, %mul3A_267 : i32
      %add3A_269 = arith.constant 6144 : i32
      %add3A_270 = arith.addi %add3A_269, %mul3A_268 : i32
      %get3A_271 = arith.index_cast %add3A_270 : i32 to index
      %get3A_272 = tpu.vector_load %arg4[%get3A_271] {strides = array<i32>} : memref<16384xf32, #tpu.memory_space<vmem>>, vector<16xf32>,
      %gt3A = arith.cmpf ogt, %get3A_272, %scan3A_265 : vector<16xf32>
      %select_n3A = arith.select %gt3A, %get3A_272, %scan3A_265 : vector<16xi1>, vector<16xf32>
      %add3A_273 = vector.broadcast %add3A_270 : i32 to vector<16xi32>
      %add3A_274 = arith.addi %add3A_273, %iota3A : vector<16xi32>
      %select_n3A_275 = arith.select %gt3A, %add3A_274, %scan3A_266 : vector<16xi1>, vector<16xi32>
      scf.yield %select_n3A, %select_n3A_275 : vector<16xf32>, vector<16xi32>
    }
    %scan3A_115 = arith.constant 63 : i32
    %swap3A_116 = arith.constant 96 : index
    %swap3A_117 = tpu.vector_load %arg6[%swap3A_116] {strides = array<i32>} : memref<256xf32, #tpu.memory_space<vmem>>, vector<16xf32>,
    tpu.vector_store %arg6[%swap3A_116], %scan3A_114#0 {strides = array<i32>} : memref<256xf32, #tpu.memory_space<vmem>>, vector<16xf32>,
    %swap3A_118 = arith.constant 96 : index
    %swap3A_119 = tpu.vector_load %arg7[%swap3A_118] {strides = array<i32>} : memref<256xi32, #tpu.memory_space<vmem>>, vector<16xi32>,
    tpu.vector_store %arg7[%swap3A_118], %scan3A_114#1 {strides = array<i32>} : memref<256xi32, #tpu.memory_space<vmem>>, vector<16xi32>,
    %get3A_120 = arith.constant 7168 : index
    %get3A_121 = tpu.vector_load %arg4[%get3A_120] {strides = array<i32>} : memref<16384xf32, #tpu.memory_space<vmem>>, vector<16xf32>,
    %add3A_122 = arith.constant 7168 : i32
    %add3A_123 = vector.broadcast %add3A_122 : i32 to vector<16xi32>
    %add3A_124 = arith.addi %add3A_123, %iota3A : vector<16xi32>
    %scan3A_125 = arith.constant 1 : i32
    %scan3A_126 = arith.constant 63 : i32
    %scan3A_127 = arith.addi %scan3A_125, %scan3A_126 : i32
    %scan3A_128 = arith.constant 1 : i32
    %scan3A_129:2 = scf.for %scan3A_264 = %scan3A_125 to %scan3A_127 step %scan3A_128 iter_args(%scan3A_265 = %get3A_121, %scan3A_266 = %add3A_124) -> (vector<16xf32>, vector<16xi32>)  : i32 {
      %mul3A_267 = arith.constant 16 : i32
      %mul3A_268 = arith.muli %scan3A_264, %mul3A_267 : i32
      %add3A_269 = arith.constant 7168 : i32
      %add3A_270 = arith.addi %add3A_269, %mul3A_268 : i32
      %get3A_271 = arith.index_cast %add3A_270 : i32 to index
      %get3A_272 = tpu.vector_load %arg4[%get3A_271] {strides = array<i32>} : memref<16384xf32, #tpu.memory_space<vmem>>, vector<16xf32>,
      %gt3A = arith.cmpf ogt, %get3A_272, %scan3A_265 : vector<16xf32>
      %select_n3A = arith.select %gt3A, %get3A_272, %scan3A_265 : vector<16xi1>, vector<16xf32>
      %add3A_273 = vector.broadcast %add3A_270 : i32 to vector<16xi32>
      %add3A_274 = arith.addi %add3A_273, %iota3A : vector<16xi32>
      %select_n3A_275 = arith.select %gt3A, %add3A_274, %scan3A_266 : vector<16xi1>, vector<16xi32>
      scf.yield %select_n3A, %select_n3A_275 : vector<16xf32>, vector<16xi32>
    }
    %scan3A_130 = arith.constant 63 : i32
    %swap3A_131 = arith.constant 112 : index
    %swap3A_132 = tpu.vector_load %arg6[%swap3A_131] {strides = array<i32>} : memref<256xf32, #tpu.memory_space<vmem>>, vector<16xf32>,
    tpu.vector_store %arg6[%swap3A_131], %scan3A_129#0 {strides = array<i32>} : memref<256xf32, #tpu.memory_space<vmem>>, vector<16xf32>,
    %swap3A_133 = arith.constant 112 : index
    %swap3A_134 = tpu.vector_load %arg7[%swap3A_133] {strides = array<i32>} : memref<256xi32, #tpu.memory_space<vmem>>, vector<16xi32>,
    tpu.vector_store %arg7[%swap3A_133], %scan3A_129#1 {strides = array<i32>} : memref<256xi32, #tpu.memory_space<vmem>>, vector<16xi32>,
    %get3A_135 = arith.constant 8192 : index
    %get3A_136 = tpu.vector_load %arg4[%get3A_135] {strides = array<i32>} : memref<16384xf32, #tpu.memory_space<vmem>>, vector<16xf32>,
    %add3A_137 = arith.constant 8192 : i32
    %add3A_138 = vector.broadcast %add3A_137 : i32 to vector<16xi32>
    %add3A_139 = arith.addi %add3A_138, %iota3A : vector<16xi32>
    %scan3A_140 = arith.constant 1 : i32
    %scan3A_141 = arith.constant 63 : i32
    %scan3A_142 = arith.addi %scan3A_140, %scan3A_141 : i32
    %scan3A_143 = arith.constant 1 : i32
    %scan3A_144:2 = scf.for %scan3A_264 = %scan3A_140 to %scan3A_142 step %scan3A_143 iter_args(%scan3A_265 = %get3A_136, %scan3A_266 = %add3A_139) -> (vector<16xf32>, vector<16xi32>)  : i32 {
      %mul3A_267 = arith.constant 16 : i32
      %mul3A_268 = arith.muli %scan3A_264, %mul3A_267 : i32
      %add3A_269 = arith.constant 8192 : i32
      %add3A_270 = arith.addi %add3A_269, %mul3A_268 : i32
      %get3A_271 = arith.index_cast %add3A_270 : i32 to index
      %get3A_272 = tpu.vector_load %arg4[%get3A_271] {strides = array<i32>} : memref<16384xf32, #tpu.memory_space<vmem>>, vector<16xf32>,
      %gt3A = arith.cmpf ogt, %get3A_272, %scan3A_265 : vector<16xf32>
      %select_n3A = arith.select %gt3A, %get3A_272, %scan3A_265 : vector<16xi1>, vector<16xf32>
      %add3A_273 = vector.broadcast %add3A_270 : i32 to vector<16xi32>
      %add3A_274 = arith.addi %add3A_273, %iota3A : vector<16xi32>
      %select_n3A_275 = arith.select %gt3A, %add3A_274, %scan3A_266 : vector<16xi1>, vector<16xi32>
      scf.yield %select_n3A, %select_n3A_275 : vector<16xf32>, vector<16xi32>
    }
    %scan3A_145 = arith.constant 63 : i32
    %swap3A_146 = arith.constant 128 : index
    %swap3A_147 = tpu.vector_load %arg6[%swap3A_146] {strides = array<i32>} : memref<256xf32, #tpu.memory_space<vmem>>, vector<16xf32>,
    tpu.vector_store %arg6[%swap3A_146], %scan3A_144#0 {strides = array<i32>} : memref<256xf32, #tpu.memory_space<vmem>>, vector<16xf32>,
    %swap3A_148 = arith.constant 128 : index
    %swap3A_149 = tpu.vector_load %arg7[%swap3A_148] {strides = array<i32>} : memref<256xi32, #tpu.memory_space<vmem>>, vector<16xi32>,
    tpu.vector_store %arg7[%swap3A_148], %scan3A_144#1 {strides = array<i32>} : memref<256xi32, #tpu.memory_space<vmem>>, vector<16xi32>,
    %get3A_150 = arith.constant 9216 : index
    %get3A_151 = tpu.vector_load %arg4[%get3A_150] {strides = array<i32>} : memref<16384xf32, #tpu.memory_space<vmem>>, vector<16xf32>,
    %add3A_152 = arith.constant 9216 : i32
    %add3A_153 = vector.broadcast %add3A_152 : i32 to vector<16xi32>
    %add3A_154 = arith.addi %add3A_153, %iota3A : vector<16xi32>
    %scan3A_155 = arith.constant 1 : i32
    %scan3A_156 = arith.constant 63 : i32
    %scan3A_157 = arith.addi %scan3A_155, %scan3A_156 : i32
    %scan3A_158 = arith.constant 1 : i32
    %scan3A_159:2 = scf.for %scan3A_264 = %scan3A_155 to %scan3A_157 step %scan3A_158 iter_args(%scan3A_265 = %get3A_151, %scan3A_266 = %add3A_154) -> (vector<16xf32>, vector<16xi32>)  : i32 {
      %mul3A_267 = arith.constant 16 : i32
      %mul3A_268 = arith.muli %scan3A_264, %mul3A_267 : i32
      %add3A_269 = arith.constant 9216 : i32
      %add3A_270 = arith.addi %add3A_269, %mul3A_268 : i32
      %get3A_271 = arith.index_cast %add3A_270 : i32 to index
      %get3A_272 = tpu.vector_load %arg4[%get3A_271] {strides = array<i32>} : memref<16384xf32, #tpu.memory_space<vmem>>, vector<16xf32>,
      %gt3A = arith.cmpf ogt, %get3A_272, %scan3A_265 : vector<16xf32>
      %select_n3A = arith.select %gt3A, %get3A_272, %scan3A_265 : vector<16xi1>, vector<16xf32>
      %add3A_273 = vector.broadcast %add3A_270 : i32 to vector<16xi32>
      %add3A_274 = arith.addi %add3A_273, %iota3A : vector<16xi32>
      %select_n3A_275 = arith.select %gt3A, %add3A_274, %scan3A_266 : vector<16xi1>, vector<16xi32>
      scf.yield %select_n3A, %select_n3A_275 : vector<16xf32>, vector<16xi32>
    }
    %scan3A_160 = arith.constant 63 : i32
    %swap3A_161 = arith.constant 144 : index
    %swap3A_162 = tpu.vector_load %arg6[%swap3A_161] {strides = array<i32>} : memref<256xf32, #tpu.memory_space<vmem>>, vector<16xf32>,
    tpu.vector_store %arg6[%swap3A_161], %scan3A_159#0 {strides = array<i32>} : memref<256xf32, #tpu.memory_space<vmem>>, vector<16xf32>,
    %swap3A_163 = arith.constant 144 : index
    %swap3A_164 = tpu.vector_load %arg7[%swap3A_163] {strides = array<i32>} : memref<256xi32, #tpu.memory_space<vmem>>, vector<16xi32>,
    tpu.vector_store %arg7[%swap3A_163], %scan3A_159#1 {strides = array<i32>} : memref<256xi32, #tpu.memory_space<vmem>>, vector<16xi32>,
    %get3A_165 = arith.constant 10240 : index
    %get3A_166 = tpu.vector_load %arg4[%get3A_165] {strides = array<i32>} : memref<16384xf32, #tpu.memory_space<vmem>>, vector<16xf32>,
    %add3A_167 = arith.constant 10240 : i32
    %add3A_168 = vector.broadcast %add3A_167 : i32 to vector<16xi32>
    %add3A_169 = arith.addi %add3A_168, %iota3A : vector<16xi32>
    %scan3A_170 = arith.constant 1 : i32
    %scan3A_171 = arith.constant 63 : i32
    %scan3A_172 = arith.addi %scan3A_170, %scan3A_171 : i32
    %scan3A_173 = arith.constant 1 : i32
    %scan3A_174:2 = scf.for %scan3A_264 = %scan3A_170 to %scan3A_172 step %scan3A_173 iter_args(%scan3A_265 = %get3A_166, %scan3A_266 = %add3A_169) -> (vector<16xf32>, vector<16xi32>)  : i32 {
      %mul3A_267 = arith.constant 16 : i32
      %mul3A_268 = arith.muli %scan3A_264, %mul3A_267 : i32
      %add3A_269 = arith.constant 10240 : i32
      %add3A_270 = arith.addi %add3A_269, %mul3A_268 : i32
      %get3A_271 = arith.index_cast %add3A_270 : i32 to index
      %get3A_272 = tpu.vector_load %arg4[%get3A_271] {strides = array<i32>} : memref<16384xf32, #tpu.memory_space<vmem>>, vector<16xf32>,
      %gt3A = arith.cmpf ogt, %get3A_272, %scan3A_265 : vector<16xf32>
      %select_n3A = arith.select %gt3A, %get3A_272, %scan3A_265 : vector<16xi1>, vector<16xf32>
      %add3A_273 = vector.broadcast %add3A_270 : i32 to vector<16xi32>
      %add3A_274 = arith.addi %add3A_273, %iota3A : vector<16xi32>
      %select_n3A_275 = arith.select %gt3A, %add3A_274, %scan3A_266 : vector<16xi1>, vector<16xi32>
      scf.yield %select_n3A, %select_n3A_275 : vector<16xf32>, vector<16xi32>
    }
    %scan3A_175 = arith.constant 63 : i32
    %swap3A_176 = arith.constant 160 : index
    %swap3A_177 = tpu.vector_load %arg6[%swap3A_176] {strides = array<i32>} : memref<256xf32, #tpu.memory_space<vmem>>, vector<16xf32>,
    tpu.vector_store %arg6[%swap3A_176], %scan3A_174#0 {strides = array<i32>} : memref<256xf32, #tpu.memory_space<vmem>>, vector<16xf32>,
    %swap3A_178 = arith.constant 160 : index
    %swap3A_179 = tpu.vector_load %arg7[%swap3A_178] {strides = array<i32>} : memref<256xi32, #tpu.memory_space<vmem>>, vector<16xi32>,
    tpu.vector_store %arg7[%swap3A_178], %scan3A_174#1 {strides = array<i32>} : memref<256xi32, #tpu.memory_space<vmem>>, vector<16xi32>,
    %get3A_180 = arith.constant 11264 : index
    %get3A_181 = tpu.vector_load %arg4[%get3A_180] {strides = array<i32>} : memref<16384xf32, #tpu.memory_space<vmem>>, vector<16xf32>,
    %add3A_182 = arith.constant 11264 : i32
    %add3A_183 = vector.broadcast %add3A_182 : i32 to vector<16xi32>
    %add3A_184 = arith.addi %add3A_183, %iota3A : vector<16xi32>
    %scan3A_185 = arith.constant 1 : i32
    %scan3A_186 = arith.constant 63 : i32
    %scan3A_187 = arith.addi %scan3A_185, %scan3A_186 : i32
    %scan3A_188 = arith.constant 1 : i32
    %scan3A_189:2 = scf.for %scan3A_264 = %scan3A_185 to %scan3A_187 step %scan3A_188 iter_args(%scan3A_265 = %get3A_181, %scan3A_266 = %add3A_184) -> (vector<16xf32>, vector<16xi32>)  : i32 {
      %mul3A_267 = arith.constant 16 : i32
      %mul3A_268 = arith.muli %scan3A_264, %mul3A_267 : i32
      %add3A_269 = arith.constant 11264 : i32
      %add3A_270 = arith.addi %add3A_269, %mul3A_268 : i32
      %get3A_271 = arith.index_cast %add3A_270 : i32 to index
      %get3A_272 = tpu.vector_load %arg4[%get3A_271] {strides = array<i32>} : memref<16384xf32, #tpu.memory_space<vmem>>, vector<16xf32>,
      %gt3A = arith.cmpf ogt, %get3A_272, %scan3A_265 : vector<16xf32>
      %select_n3A = arith.select %gt3A, %get3A_272, %scan3A_265 : vector<16xi1>, vector<16xf32>
      %add3A_273 = vector.broadcast %add3A_270 : i32 to vector<16xi32>
      %add3A_274 = arith.addi %add3A_273, %iota3A : vector<16xi32>
      %select_n3A_275 = arith.select %gt3A, %add3A_274, %scan3A_266 : vector<16xi1>, vector<16xi32>
      scf.yield %select_n3A, %select_n3A_275 : vector<16xf32>, vector<16xi32>
    }
    %scan3A_190 = arith.constant 63 : i32
    %swap3A_191 = arith.constant 176 : index
    %swap3A_192 = tpu.vector_load %arg6[%swap3A_191] {strides = array<i32>} : memref<256xf32, #tpu.memory_space<vmem>>, vector<16xf32>,
    tpu.vector_store %arg6[%swap3A_191], %scan3A_189#0 {strides = array<i32>} : memref<256xf32, #tpu.memory_space<vmem>>, vector<16xf32>,
    %swap3A_193 = arith.constant 176 : index
    %swap3A_194 = tpu.vector_load %arg7[%swap3A_193] {strides = array<i32>} : memref<256xi32, #tpu.memory_space<vmem>>, vector<16xi32>,
    tpu.vector_store %arg7[%swap3A_193], %scan3A_189#1 {strides = array<i32>} : memref<256xi32, #tpu.memory_space<vmem>>, vector<16xi32>,
    %get3A_195 = arith.constant 12288 : index
    %get3A_196 = tpu.vector_load %arg4[%get3A_195] {strides = array<i32>} : memref<16384xf32, #tpu.memory_space<vmem>>, vector<16xf32>,
    %add3A_197 = arith.constant 12288 : i32
    %add3A_198 = vector.broadcast %add3A_197 : i32 to vector<16xi32>
    %add3A_199 = arith.addi %add3A_198, %iota3A : vector<16xi32>
    %scan3A_200 = arith.constant 1 : i32
    %scan3A_201 = arith.constant 63 : i32
    %scan3A_202 = arith.addi %scan3A_200, %scan3A_201 : i32
    %scan3A_203 = arith.constant 1 : i32
    %scan3A_204:2 = scf.for %scan3A_264 = %scan3A_200 to %scan3A_202 step %scan3A_203 iter_args(%scan3A_265 = %get3A_196, %scan3A_266 = %add3A_199) -> (vector<16xf32>, vector<16xi32>)  : i32 {
      %mul3A_267 = arith.constant 16 : i32
      %mul3A_268 = arith.muli %scan3A_264, %mul3A_267 : i32
      %add3A_269 = arith.constant 12288 : i32
      %add3A_270 = arith.addi %add3A_269, %mul3A_268 : i32
      %get3A_271 = arith.index_cast %add3A_270 : i32 to index
      %get3A_272 = tpu.vector_load %arg4[%get3A_271] {strides = array<i32>} : memref<16384xf32, #tpu.memory_space<vmem>>, vector<16xf32>,
      %gt3A = arith.cmpf ogt, %get3A_272, %scan3A_265 : vector<16xf32>
      %select_n3A = arith.select %gt3A, %get3A_272, %scan3A_265 : vector<16xi1>, vector<16xf32>
      %add3A_273 = vector.broadcast %add3A_270 : i32 to vector<16xi32>
      %add3A_274 = arith.addi %add3A_273, %iota3A : vector<16xi32>
      %select_n3A_275 = arith.select %gt3A, %add3A_274, %scan3A_266 : vector<16xi1>, vector<16xi32>
      scf.yield %select_n3A, %select_n3A_275 : vector<16xf32>, vector<16xi32>
    }
    %scan3A_205 = arith.constant 63 : i32
    %swap3A_206 = arith.constant 192 : index
    %swap3A_207 = tpu.vector_load %arg6[%swap3A_206] {strides = array<i32>} : memref<256xf32, #tpu.memory_space<vmem>>, vector<16xf32>,
    tpu.vector_store %arg6[%swap3A_206], %scan3A_204#0 {strides = array<i32>} : memref<256xf32, #tpu.memory_space<vmem>>, vector<16xf32>,
    %swap3A_208 = arith.constant 192 : index
    %swap3A_209 = tpu.vector_load %arg7[%swap3A_208] {strides = array<i32>} : memref<256xi32, #tpu.memory_space<vmem>>, vector<16xi32>,
    tpu.vector_store %arg7[%swap3A_208], %scan3A_204#1 {strides = array<i32>} : memref<256xi32, #tpu.memory_space<vmem>>, vector<16xi32>,
    %get3A_210 = arith.constant 13312 : index
    %get3A_211 = tpu.vector_load %arg4[%get3A_210] {strides = array<i32>} : memref<16384xf32, #tpu.memory_space<vmem>>, vector<16xf32>,
    %add3A_212 = arith.constant 13312 : i32
    %add3A_213 = vector.broadcast %add3A_212 : i32 to vector<16xi32>
    %add3A_214 = arith.addi %add3A_213, %iota3A : vector<16xi32>
    %scan3A_215 = arith.constant 1 : i32
    %scan3A_216 = arith.constant 63 : i32
    %scan3A_217 = arith.addi %scan3A_215, %scan3A_216 : i32
    %scan3A_218 = arith.constant 1 : i32
    %scan3A_219:2 = scf.for %scan3A_264 = %scan3A_215 to %scan3A_217 step %scan3A_218 iter_args(%scan3A_265 = %get3A_211, %scan3A_266 = %add3A_214) -> (vector<16xf32>, vector<16xi32>)  : i32 {
      %mul3A_267 = arith.constant 16 : i32
      %mul3A_268 = arith.muli %scan3A_264, %mul3A_267 : i32
      %add3A_269 = arith.constant 13312 : i32
      %add3A_270 = arith.addi %add3A_269, %mul3A_268 : i32
      %get3A_271 = arith.index_cast %add3A_270 : i32 to index
      %get3A_272 = tpu.vector_load %arg4[%get3A_271] {strides = array<i32>} : memref<16384xf32, #tpu.memory_space<vmem>>, vector<16xf32>,
      %gt3A = arith.cmpf ogt, %get3A_272, %scan3A_265 : vector<16xf32>
      %select_n3A = arith.select %gt3A, %get3A_272, %scan3A_265 : vector<16xi1>, vector<16xf32>
      %add3A_273 = vector.broadcast %add3A_270 : i32 to vector<16xi32>
      %add3A_274 = arith.addi %add3A_273, %iota3A : vector<16xi32>
      %select_n3A_275 = arith.select %gt3A, %add3A_274, %scan3A_266 : vector<16xi1>, vector<16xi32>
      scf.yield %select_n3A, %select_n3A_275 : vector<16xf32>, vector<16xi32>
    }
    %scan3A_220 = arith.constant 63 : i32
    %swap3A_221 = arith.constant 208 : index
    %swap3A_222 = tpu.vector_load %arg6[%swap3A_221] {strides = array<i32>} : memref<256xf32, #tpu.memory_space<vmem>>, vector<16xf32>,
    tpu.vector_store %arg6[%swap3A_221], %scan3A_219#0 {strides = array<i32>} : memref<256xf32, #tpu.memory_space<vmem>>, vector<16xf32>,
    %swap3A_223 = arith.constant 208 : index
    %swap3A_224 = tpu.vector_load %arg7[%swap3A_223] {strides = array<i32>} : memref<256xi32, #tpu.memory_space<vmem>>, vector<16xi32>,
    tpu.vector_store %arg7[%swap3A_223], %scan3A_219#1 {strides = array<i32>} : memref<256xi32, #tpu.memory_space<vmem>>, vector<16xi32>,
    %get3A_225 = arith.constant 14336 : index
    %get3A_226 = tpu.vector_load %arg4[%get3A_225] {strides = array<i32>} : memref<16384xf32, #tpu.memory_space<vmem>>, vector<16xf32>,
    %add3A_227 = arith.constant 14336 : i32
    %add3A_228 = vector.broadcast %add3A_227 : i32 to vector<16xi32>
    %add3A_229 = arith.addi %add3A_228, %iota3A : vector<16xi32>
    %scan3A_230 = arith.constant 1 : i32
    %scan3A_231 = arith.constant 63 : i32
    %scan3A_232 = arith.addi %scan3A_230, %scan3A_231 : i32
    %scan3A_233 = arith.constant 1 : i32
    %scan3A_234:2 = scf.for %scan3A_264 = %scan3A_230 to %scan3A_232 step %scan3A_233 iter_args(%scan3A_265 = %get3A_226, %scan3A_266 = %add3A_229) -> (vector<16xf32>, vector<16xi32>)  : i32 {
      %mul3A_267 = arith.constant 16 : i32
      %mul3A_268 = arith.muli %scan3A_264, %mul3A_267 : i32
      %add3A_269 = arith.constant 14336 : i32
      %add3A_270 = arith.addi %add3A_269, %mul3A_268 : i32
      %get3A_271 = arith.index_cast %add3A_270 : i32 to index
      %get3A_272 = tpu.vector_load %arg4[%get3A_271] {strides = array<i32>} : memref<16384xf32, #tpu.memory_space<vmem>>, vector<16xf32>,
      %gt3A = arith.cmpf ogt, %get3A_272, %scan3A_265 : vector<16xf32>
      %select_n3A = arith.select %gt3A, %get3A_272, %scan3A_265 : vector<16xi1>, vector<16xf32>
      %add3A_273 = vector.broadcast %add3A_270 : i32 to vector<16xi32>
      %add3A_274 = arith.addi %add3A_273, %iota3A : vector<16xi32>
      %select_n3A_275 = arith.select %gt3A, %add3A_274, %scan3A_266 : vector<16xi1>, vector<16xi32>
      scf.yield %select_n3A, %select_n3A_275 : vector<16xf32>, vector<16xi32>
    }
    %scan3A_235 = arith.constant 63 : i32
    %swap3A_236 = arith.constant 224 : index
    %swap3A_237 = tpu.vector_load %arg6[%swap3A_236] {strides = array<i32>} : memref<256xf32, #tpu.memory_space<vmem>>, vector<16xf32>,
    tpu.vector_store %arg6[%swap3A_236], %scan3A_234#0 {strides = array<i32>} : memref<256xf32, #tpu.memory_space<vmem>>, vector<16xf32>,
    %swap3A_238 = arith.constant 224 : index
    %swap3A_239 = tpu.vector_load %arg7[%swap3A_238] {strides = array<i32>} : memref<256xi32, #tpu.memory_space<vmem>>, vector<16xi32>,
    tpu.vector_store %arg7[%swap3A_238], %scan3A_234#1 {strides = array<i32>} : memref<256xi32, #tpu.memory_space<vmem>>, vector<16xi32>,
    %get3A_240 = arith.constant 15360 : index
    %get3A_241 = tpu.vector_load %arg4[%get3A_240] {strides = array<i32>} : memref<16384xf32, #tpu.memory_space<vmem>>, vector<16xf32>,
    %add3A_242 = arith.constant 15360 : i32
    %add3A_243 = vector.broadcast %add3A_242 : i32 to vector<16xi32>
    %add3A_244 = arith.addi %add3A_243, %iota3A : vector<16xi32>
    %scan3A_245 = arith.constant 1 : i32
    %scan3A_246 = arith.constant 63 : i32
    %scan3A_247 = arith.addi %scan3A_245, %scan3A_246 : i32
    %scan3A_248 = arith.constant 1 : i32
    %scan3A_249:2 = scf.for %scan3A_264 = %scan3A_245 to %scan3A_247 step %scan3A_248 iter_args(%scan3A_265 = %get3A_241, %scan3A_266 = %add3A_244) -> (vector<16xf32>, vector<16xi32>)  : i32 {
      %mul3A_267 = arith.constant 16 : i32
      %mul3A_268 = arith.muli %scan3A_264, %mul3A_267 : i32
      %add3A_269 = arith.constant 15360 : i32
      %add3A_270 = arith.addi %add3A_269, %mul3A_268 : i32
      %get3A_271 = arith.index_cast %add3A_270 : i32 to index
      %get3A_272 = tpu.vector_load %arg4[%get3A_271] {strides = array<i32>} : memref<16384xf32, #tpu.memory_space<vmem>>, vector<16xf32>,
      %gt3A = arith.cmpf ogt, %get3A_272, %scan3A_265 : vector<16xf32>
      %select_n3A = arith.select %gt3A, %get3A_272, %scan3A_265 : vector<16xi1>, vector<16xf32>
      %add3A_273 = vector.broadcast %add3A_270 : i32 to vector<16xi32>
      %add3A_274 = arith.addi %add3A_273, %iota3A : vector<16xi32>
      %select_n3A_275 = arith.select %gt3A, %add3A_274, %scan3A_266 : vector<16xi1>, vector<16xi32>
      scf.yield %select_n3A, %select_n3A_275 : vector<16xf32>, vector<16xi32>
    }
    %scan3A_250 = arith.constant 63 : i32
    %swap3A_251 = arith.constant 240 : index
    %swap3A_252 = tpu.vector_load %arg6[%swap3A_251] {strides = array<i32>} : memref<256xf32, #tpu.memory_space<vmem>>, vector<16xf32>,
    tpu.vector_store %arg6[%swap3A_251], %scan3A_249#0 {strides = array<i32>} : memref<256xf32, #tpu.memory_space<vmem>>, vector<16xf32>,
    %swap3A_253 = arith.constant 240 : index
    %swap3A_254 = tpu.vector_load %arg7[%swap3A_253] {strides = array<i32>} : memref<256xi32, #tpu.memory_space<vmem>>, vector<16xi32>,
    tpu.vector_store %arg7[%swap3A_253], %scan3A_249#1 {strides = array<i32>} : memref<256xi32, #tpu.memory_space<vmem>>, vector<16xi32>,
    %eq3A = arith.constant 0 : i32
    %eq3A_255 = vector.broadcast %eq3A : i32 to vector<16xi32>
    %eq3A_256 = arith.cmpi eq, %iota3A, %eq3A_255 : vector<16xi32>
    %scan3A_257 = arith.constant 0 : i32
    %scan3A_258 = arith.constant 1073741824 : i32
    %scan3A_259 = arith.constant 0 : i32
    %scan3A_260 = arith.constant 32 : i32
    %scan3A_261 = arith.addi %scan3A_259, %scan3A_260 : i32
    %scan3A_262 = arith.constant 1 : i32
    scf.for %scan3A_264 = %scan3A_259 to %scan3A_261 step %scan3A_262  : i32 {
      %get3A_265 = arith.constant 0 : index
      %get3A_266 = tpu.vector_load %arg6[%get3A_265] {strides = array<i32>} : memref<256xf32, #tpu.memory_space<vmem>>, vector<16xf32>,
      %get3A_267 = arith.constant 0 : index
      %get3A_268 = tpu.vector_load %arg7[%get3A_267] {strides = array<i32>} : memref<256xi32, #tpu.memory_space<vmem>>, vector<16xi32>,
      %get3A_269 = arith.constant 16 : index
      %get3A_270 = tpu.vector_load %arg6[%get3A_269] {strides = array<i32>} : memref<256xf32, #tpu.memory_space<vmem>>, vector<16xf32>,
      %get3A_271 = arith.constant 16 : index
      %get3A_272 = tpu.vector_load %arg7[%get3A_271] {strides = array<i32>} : memref<256xi32, #tpu.memory_space<vmem>>, vector<16xi32>,
      %gt3A = arith.cmpf ogt, %get3A_270, %get3A_266 : vector<16xf32>
      %eq3A_273 = arith.cmpf oeq, %get3A_270, %get3A_266 : vector<16xf32>
      %lt3A = arith.cmpi slt, %get3A_272, %get3A_268 : vector<16xi32>
      %and3A = arith.andi %eq3A_273, %lt3A : vector<16xi1>
      %or3A = arith.ori %gt3A, %and3A : vector<16xi1>
      %select_n3A = arith.select %or3A, %get3A_270, %get3A_266 : vector<16xi1>, vector<16xf32>
      %select_n3A_274 = arith.select %or3A, %get3A_272, %get3A_268 : vector<16xi1>, vector<16xi32>
      %get3A_275 = arith.constant 32 : index
      %get3A_276 = tpu.vector_load %arg6[%get3A_275] {strides = array<i32>} : memref<256xf32, #tpu.memory_space<vmem>>, vector<16xf32>,
      %get3A_277 = arith.constant 32 : index
      %get3A_278 = tpu.vector_load %arg7[%get3A_277] {strides = array<i32>} : memref<256xi32, #tpu.memory_space<vmem>>, vector<16xi32>,
      %gt3A_279 = arith.cmpf ogt, %get3A_276, %select_n3A : vector<16xf32>
      %eq3A_280 = arith.cmpf oeq, %get3A_276, %select_n3A : vector<16xf32>
      %lt3A_281 = arith.cmpi slt, %get3A_278, %select_n3A_274 : vector<16xi32>
      %and3A_282 = arith.andi %eq3A_280, %lt3A_281 : vector<16xi1>
      %or3A_283 = arith.ori %gt3A_279, %and3A_282 : vector<16xi1>
      %select_n3A_284 = arith.select %or3A_283, %get3A_276, %select_n3A : vector<16xi1>, vector<16xf32>
      %select_n3A_285 = arith.select %or3A_283, %get3A_278, %select_n3A_274 : vector<16xi1>, vector<16xi32>
      %get3A_286 = arith.constant 48 : index
      %get3A_287 = tpu.vector_load %arg6[%get3A_286] {strides = array<i32>} : memref<256xf32, #tpu.memory_space<vmem>>, vector<16xf32>,
      %get3A_288 = arith.constant 48 : index
      %get3A_289 = tpu.vector_load %arg7[%get3A_288] {strides = array<i32>} : memref<256xi32, #tpu.memory_space<vmem>>, vector<16xi32>,
      %gt3A_290 = arith.cmpf ogt, %get3A_287, %select_n3A_284 : vector<16xf32>
      %eq3A_291 = arith.cmpf oeq, %get3A_287, %select_n3A_284 : vector<16xf32>
      %lt3A_292 = arith.cmpi slt, %get3A_289, %select_n3A_285 : vector<16xi32>
      %and3A_293 = arith.andi %eq3A_291, %lt3A_292 : vector<16xi1>
      %or3A_294 = arith.ori %gt3A_290, %and3A_293 : vector<16xi1>
      %select_n3A_295 = arith.select %or3A_294, %get3A_287, %select_n3A_284 : vector<16xi1>, vector<16xf32>
      %select_n3A_296 = arith.select %or3A_294, %get3A_289, %select_n3A_285 : vector<16xi1>, vector<16xi32>
      %get3A_297 = arith.constant 64 : index
      %get3A_298 = tpu.vector_load %arg6[%get3A_297] {strides = array<i32>} : memref<256xf32, #tpu.memory_space<vmem>>, vector<16xf32>,
      %get3A_299 = arith.constant 64 : index
      %get3A_300 = tpu.vector_load %arg7[%get3A_299] {strides = array<i32>} : memref<256xi32, #tpu.memory_space<vmem>>, vector<16xi32>,
      %gt3A_301 = arith.cmpf ogt, %get3A_298, %select_n3A_295 : vector<16xf32>
      %eq3A_302 = arith.cmpf oeq, %get3A_298, %select_n3A_295 : vector<16xf32>
      %lt3A_303 = arith.cmpi slt, %get3A_300, %select_n3A_296 : vector<16xi32>
      %and3A_304 = arith.andi %eq3A_302, %lt3A_303 : vector<16xi1>
      %or3A_305 = arith.ori %gt3A_301, %and3A_304 : vector<16xi1>
      %select_n3A_306 = arith.select %or3A_305, %get3A_298, %select_n3A_295 : vector<16xi1>, vector<16xf32>
      %select_n3A_307 = arith.select %or3A_305, %get3A_300, %select_n3A_296 : vector<16xi1>, vector<16xi32>
      %get3A_308 = arith.constant 80 : index
      %get3A_309 = tpu.vector_load %arg6[%get3A_308] {strides = array<i32>} : memref<256xf32, #tpu.memory_space<vmem>>, vector<16xf32>,
      %get3A_310 = arith.constant 80 : index
      %get3A_311 = tpu.vector_load %arg7[%get3A_310] {strides = array<i32>} : memref<256xi32, #tpu.memory_space<vmem>>, vector<16xi32>,
      %gt3A_312 = arith.cmpf ogt, %get3A_309, %select_n3A_306 : vector<16xf32>
      %eq3A_313 = arith.cmpf oeq, %get3A_309, %select_n3A_306 : vector<16xf32>
      %lt3A_314 = arith.cmpi slt, %get3A_311, %select_n3A_307 : vector<16xi32>
      %and3A_315 = arith.andi %eq3A_313, %lt3A_314 : vector<16xi1>
      %or3A_316 = arith.ori %gt3A_312, %and3A_315 : vector<16xi1>
      %select_n3A_317 = arith.select %or3A_316, %get3A_309, %select_n3A_306 : vector<16xi1>, vector<16xf32>
      %select_n3A_318 = arith.select %or3A_316, %get3A_311, %select_n3A_307 : vector<16xi1>, vector<16xi32>
      %get3A_319 = arith.constant 96 : index
      %get3A_320 = tpu.vector_load %arg6[%get3A_319] {strides = array<i32>} : memref<256xf32, #tpu.memory_space<vmem>>, vector<16xf32>,
      %get3A_321 = arith.constant 96 : index
      %get3A_322 = tpu.vector_load %arg7[%get3A_321] {strides = array<i32>} : memref<256xi32, #tpu.memory_space<vmem>>, vector<16xi32>,
      %gt3A_323 = arith.cmpf ogt, %get3A_320, %select_n3A_317 : vector<16xf32>
      %eq3A_324 = arith.cmpf oeq, %get3A_320, %select_n3A_317 : vector<16xf32>
      %lt3A_325 = arith.cmpi slt, %get3A_322, %select_n3A_318 : vector<16xi32>
      %and3A_326 = arith.andi %eq3A_324, %lt3A_325 : vector<16xi1>
      %or3A_327 = arith.ori %gt3A_323, %and3A_326 : vector<16xi1>
      %select_n3A_328 = arith.select %or3A_327, %get3A_320, %select_n3A_317 : vector<16xi1>, vector<16xf32>
      %select_n3A_329 = arith.select %or3A_327, %get3A_322, %select_n3A_318 : vector<16xi1>, vector<16xi32>
      %get3A_330 = arith.constant 112 : index
      %get3A_331 = tpu.vector_load %arg6[%get3A_330] {strides = array<i32>} : memref<256xf32, #tpu.memory_space<vmem>>, vector<16xf32>,
      %get3A_332 = arith.constant 112 : index
      %get3A_333 = tpu.vector_load %arg7[%get3A_332] {strides = array<i32>} : memref<256xi32, #tpu.memory_space<vmem>>, vector<16xi32>,
      %gt3A_334 = arith.cmpf ogt, %get3A_331, %select_n3A_328 : vector<16xf32>
      %eq3A_335 = arith.cmpf oeq, %get3A_331, %select_n3A_328 : vector<16xf32>
      %lt3A_336 = arith.cmpi slt, %get3A_333, %select_n3A_329 : vector<16xi32>
      %and3A_337 = arith.andi %eq3A_335, %lt3A_336 : vector<16xi1>
      %or3A_338 = arith.ori %gt3A_334, %and3A_337 : vector<16xi1>
      %select_n3A_339 = arith.select %or3A_338, %get3A_331, %select_n3A_328 : vector<16xi1>, vector<16xf32>
      %select_n3A_340 = arith.select %or3A_338, %get3A_333, %select_n3A_329 : vector<16xi1>, vector<16xi32>
      %get3A_341 = arith.constant 128 : index
      %get3A_342 = tpu.vector_load %arg6[%get3A_341] {strides = array<i32>} : memref<256xf32, #tpu.memory_space<vmem>>, vector<16xf32>,
      %get3A_343 = arith.constant 128 : index
      %get3A_344 = tpu.vector_load %arg7[%get3A_343] {strides = array<i32>} : memref<256xi32, #tpu.memory_space<vmem>>, vector<16xi32>,
      %gt3A_345 = arith.cmpf ogt, %get3A_342, %select_n3A_339 : vector<16xf32>
      %eq3A_346 = arith.cmpf oeq, %get3A_342, %select_n3A_339 : vector<16xf32>
      %lt3A_347 = arith.cmpi slt, %get3A_344, %select_n3A_340 : vector<16xi32>
      %and3A_348 = arith.andi %eq3A_346, %lt3A_347 : vector<16xi1>
      %or3A_349 = arith.ori %gt3A_345, %and3A_348 : vector<16xi1>
      %select_n3A_350 = arith.select %or3A_349, %get3A_342, %select_n3A_339 : vector<16xi1>, vector<16xf32>
      %select_n3A_351 = arith.select %or3A_349, %get3A_344, %select_n3A_340 : vector<16xi1>, vector<16xi32>
      %get3A_352 = arith.constant 144 : index
      %get3A_353 = tpu.vector_load %arg6[%get3A_352] {strides = array<i32>} : memref<256xf32, #tpu.memory_space<vmem>>, vector<16xf32>,
      %get3A_354 = arith.constant 144 : index
      %get3A_355 = tpu.vector_load %arg7[%get3A_354] {strides = array<i32>} : memref<256xi32, #tpu.memory_space<vmem>>, vector<16xi32>,
      %gt3A_356 = arith.cmpf ogt, %get3A_353, %select_n3A_350 : vector<16xf32>
      %eq3A_357 = arith.cmpf oeq, %get3A_353, %select_n3A_350 : vector<16xf32>
      %lt3A_358 = arith.cmpi slt, %get3A_355, %select_n3A_351 : vector<16xi32>
      %and3A_359 = arith.andi %eq3A_357, %lt3A_358 : vector<16xi1>
      %or3A_360 = arith.ori %gt3A_356, %and3A_359 : vector<16xi1>
      %select_n3A_361 = arith.select %or3A_360, %get3A_353, %select_n3A_350 : vector<16xi1>, vector<16xf32>
      %select_n3A_362 = arith.select %or3A_360, %get3A_355, %select_n3A_351 : vector<16xi1>, vector<16xi32>
      %get3A_363 = arith.constant 160 : index
      %get3A_364 = tpu.vector_load %arg6[%get3A_363] {strides = array<i32>} : memref<256xf32, #tpu.memory_space<vmem>>, vector<16xf32>,
      %get3A_365 = arith.constant 160 : index
      %get3A_366 = tpu.vector_load %arg7[%get3A_365] {strides = array<i32>} : memref<256xi32, #tpu.memory_space<vmem>>, vector<16xi32>,
      %gt3A_367 = arith.cmpf ogt, %get3A_364, %select_n3A_361 : vector<16xf32>
      %eq3A_368 = arith.cmpf oeq, %get3A_364, %select_n3A_361 : vector<16xf32>
      %lt3A_369 = arith.cmpi slt, %get3A_366, %select_n3A_362 : vector<16xi32>
      %and3A_370 = arith.andi %eq3A_368, %lt3A_369 : vector<16xi1>
      %or3A_371 = arith.ori %gt3A_367, %and3A_370 : vector<16xi1>
      %select_n3A_372 = arith.select %or3A_371, %get3A_364, %select_n3A_361 : vector<16xi1>, vector<16xf32>
      %select_n3A_373 = arith.select %or3A_371, %get3A_366, %select_n3A_362 : vector<16xi1>, vector<16xi32>
      %get3A_374 = arith.constant 176 : index
      %get3A_375 = tpu.vector_load %arg6[%get3A_374] {strides = array<i32>} : memref<256xf32, #tpu.memory_space<vmem>>, vector<16xf32>,
      %get3A_376 = arith.constant 176 : index
      %get3A_377 = tpu.vector_load %arg7[%get3A_376] {strides = array<i32>} : memref<256xi32, #tpu.memory_space<vmem>>, vector<16xi32>,
      %gt3A_378 = arith.cmpf ogt, %get3A_375, %select_n3A_372 : vector<16xf32>
      %eq3A_379 = arith.cmpf oeq, %get3A_375, %select_n3A_372 : vector<16xf32>
      %lt3A_380 = arith.cmpi slt, %get3A_377, %select_n3A_373 : vector<16xi32>
      %and3A_381 = arith.andi %eq3A_379, %lt3A_380 : vector<16xi1>
      %or3A_382 = arith.ori %gt3A_378, %and3A_381 : vector<16xi1>
      %select_n3A_383 = arith.select %or3A_382, %get3A_375, %select_n3A_372 : vector<16xi1>, vector<16xf32>
      %select_n3A_384 = arith.select %or3A_382, %get3A_377, %select_n3A_373 : vector<16xi1>, vector<16xi32>
      %get3A_385 = arith.constant 192 : index
      %get3A_386 = tpu.vector_load %arg6[%get3A_385] {strides = array<i32>} : memref<256xf32, #tpu.memory_space<vmem>>, vector<16xf32>,
      %get3A_387 = arith.constant 192 : index
      %get3A_388 = tpu.vector_load %arg7[%get3A_387] {strides = array<i32>} : memref<256xi32, #tpu.memory_space<vmem>>, vector<16xi32>,
      %gt3A_389 = arith.cmpf ogt, %get3A_386, %select_n3A_383 : vector<16xf32>
      %eq3A_390 = arith.cmpf oeq, %get3A_386, %select_n3A_383 : vector<16xf32>
      %lt3A_391 = arith.cmpi slt, %get3A_388, %select_n3A_384 : vector<16xi32>
      %and3A_392 = arith.andi %eq3A_390, %lt3A_391 : vector<16xi1>
      %or3A_393 = arith.ori %gt3A_389, %and3A_392 : vector<16xi1>
      %select_n3A_394 = arith.select %or3A_393, %get3A_386, %select_n3A_383 : vector<16xi1>, vector<16xf32>
      %select_n3A_395 = arith.select %or3A_393, %get3A_388, %select_n3A_384 : vector<16xi1>, vector<16xi32>
      %get3A_396 = arith.constant 208 : index
      %get3A_397 = tpu.vector_load %arg6[%get3A_396] {strides = array<i32>} : memref<256xf32, #tpu.memory_space<vmem>>, vector<16xf32>,
      %get3A_398 = arith.constant 208 : index
      %get3A_399 = tpu.vector_load %arg7[%get3A_398] {strides = array<i32>} : memref<256xi32, #tpu.memory_space<vmem>>, vector<16xi32>,
      %gt3A_400 = arith.cmpf ogt, %get3A_397, %select_n3A_394 : vector<16xf32>
      %eq3A_401 = arith.cmpf oeq, %get3A_397, %select_n3A_394 : vector<16xf32>
      %lt3A_402 = arith.cmpi slt, %get3A_399, %select_n3A_395 : vector<16xi32>
      %and3A_403 = arith.andi %eq3A_401, %lt3A_402 : vector<16xi1>
      %or3A_404 = arith.ori %gt3A_400, %and3A_403 : vector<16xi1>
      %select_n3A_405 = arith.select %or3A_404, %get3A_397, %select_n3A_394 : vector<16xi1>, vector<16xf32>
      %select_n3A_406 = arith.select %or3A_404, %get3A_399, %select_n3A_395 : vector<16xi1>, vector<16xi32>
      %get3A_407 = arith.constant 224 : index
      %get3A_408 = tpu.vector_load %arg6[%get3A_407] {strides = array<i32>} : memref<256xf32, #tpu.memory_space<vmem>>, vector<16xf32>,
      %get3A_409 = arith.constant 224 : index
      %get3A_410 = tpu.vector_load %arg7[%get3A_409] {strides = array<i32>} : memref<256xi32, #tpu.memory_space<vmem>>, vector<16xi32>,
      %gt3A_411 = arith.cmpf ogt, %get3A_408, %select_n3A_405 : vector<16xf32>
      %eq3A_412 = arith.cmpf oeq, %get3A_408, %select_n3A_405 : vector<16xf32>
      %lt3A_413 = arith.cmpi slt, %get3A_410, %select_n3A_406 : vector<16xi32>
      %and3A_414 = arith.andi %eq3A_412, %lt3A_413 : vector<16xi1>
      %or3A_415 = arith.ori %gt3A_411, %and3A_414 : vector<16xi1>
      %select_n3A_416 = arith.select %or3A_415, %get3A_408, %select_n3A_405 : vector<16xi1>, vector<16xf32>
      %select_n3A_417 = arith.select %or3A_415, %get3A_410, %select_n3A_406 : vector<16xi1>, vector<16xi32>
      %get3A_418 = arith.constant 240 : index
      %get3A_419 = tpu.vector_load %arg6[%get3A_418] {strides = array<i32>} : memref<256xf32, #tpu.memory_space<vmem>>, vector<16xf32>,
      %get3A_420 = arith.constant 240 : index
      %get3A_421 = tpu.vector_load %arg7[%get3A_420] {strides = array<i32>} : memref<256xi32, #tpu.memory_space<vmem>>, vector<16xi32>,
      %gt3A_422 = arith.cmpf ogt, %get3A_419, %select_n3A_416 : vector<16xf32>
      %eq3A_423 = arith.cmpf oeq, %get3A_419, %select_n3A_416 : vector<16xf32>
      %lt3A_424 = arith.cmpi slt, %get3A_421, %select_n3A_417 : vector<16xi32>
      %and3A_425 = arith.andi %eq3A_423, %lt3A_424 : vector<16xi1>
      %or3A_426 = arith.ori %gt3A_422, %and3A_425 : vector<16xi1>
      %select_n3A_427 = arith.select %or3A_426, %get3A_419, %select_n3A_416 : vector<16xi1>, vector<16xf32>
      %select_n3A_428 = arith.select %or3A_426, %get3A_421, %select_n3A_417 : vector<16xi1>, vector<16xi32>
      %xor3A = arith.constant 8 : i32
      %xor3A_429 = vector.broadcast %xor3A : i32 to vector<16xi32>
      %xor3A_430 = arith.xori %iota3A, %xor3A_429 : vector<16xi32>
      %lt3A_431 = arith.constant 0 : i32
      %lt3A_432 = vector.broadcast %lt3A_431 : i32 to vector<16xi32>
      %lt3A_433 = arith.cmpi slt, %xor3A_430, %lt3A_432 : vector<16xi32>
      %add3A_434 = arith.constant 16 : i32
      %add3A_435 = vector.broadcast %add3A_434 : i32 to vector<16xi32>
      %add3A_436 = arith.addi %xor3A_430, %add3A_435 : vector<16xi32>
      %select_n3A_437 = arith.select %lt3A_433, %add3A_436, %xor3A_430 : vector<16xi1>, vector<16xi32>
      %broadcast_in_dim3A_438 = vector.shape_cast %select_n3A_437 : vector<16xi32> to vector<16x1xi32>
      %gather3A = vector.shape_cast %broadcast_in_dim3A_438 : vector<16x1xi32> to vector<16xi32>
      %gather3A_439 = tpu.dynamic_gather %select_n3A_427[%gather3A] in [0] : vector<16xf32>, vector<16xi32> -> vector<16xf32>
      %max3A = arith.maximumf %select_n3A_427, %gather3A_439 : vector<16xf32>
      %xor3A_440 = arith.constant 4 : i32
      %xor3A_441 = vector.broadcast %xor3A_440 : i32 to vector<16xi32>
      %xor3A_442 = arith.xori %iota3A, %xor3A_441 : vector<16xi32>
      %lt3A_443 = arith.constant 0 : i32
      %lt3A_444 = vector.broadcast %lt3A_443 : i32 to vector<16xi32>
      %lt3A_445 = arith.cmpi slt, %xor3A_442, %lt3A_444 : vector<16xi32>
      %add3A_446 = arith.constant 16 : i32
      %add3A_447 = vector.broadcast %add3A_446 : i32 to vector<16xi32>
      %add3A_448 = arith.addi %xor3A_442, %add3A_447 : vector<16xi32>
      %select_n3A_449 = arith.select %lt3A_445, %add3A_448, %xor3A_442 : vector<16xi1>, vector<16xi32>
      %broadcast_in_dim3A_450 = vector.shape_cast %select_n3A_449 : vector<16xi32> to vector<16x1xi32>
      %gather3A_451 = vector.shape_cast %broadcast_in_dim3A_450 : vector<16x1xi32> to vector<16xi32>
      %gather3A_452 = tpu.dynamic_gather %max3A[%gather3A_451] in [0] : vector<16xf32>, vector<16xi32> -> vector<16xf32>
      %max3A_453 = arith.maximumf %max3A, %gather3A_452 : vector<16xf32>
      %xor3A_454 = arith.constant 2 : i32
      %xor3A_455 = vector.broadcast %xor3A_454 : i32 to vector<16xi32>
      %xor3A_456 = arith.xori %iota3A, %xor3A_455 : vector<16xi32>
      %lt3A_457 = arith.constant 0 : i32
      %lt3A_458 = vector.broadcast %lt3A_457 : i32 to vector<16xi32>
      %lt3A_459 = arith.cmpi slt, %xor3A_456, %lt3A_458 : vector<16xi32>
      %add3A_460 = arith.constant 16 : i32
      %add3A_461 = vector.broadcast %add3A_460 : i32 to vector<16xi32>
      %add3A_462 = arith.addi %xor3A_456, %add3A_461 : vector<16xi32>
      %select_n3A_463 = arith.select %lt3A_459, %add3A_462, %xor3A_456 : vector<16xi1>, vector<16xi32>
      %broadcast_in_dim3A_464 = vector.shape_cast %select_n3A_463 : vector<16xi32> to vector<16x1xi32>
      %gather3A_465 = vector.shape_cast %broadcast_in_dim3A_464 : vector<16x1xi32> to vector<16xi32>
      %gather3A_466 = tpu.dynamic_gather %max3A_453[%gather3A_465] in [0] : vector<16xf32>, vector<16xi32> -> vector<16xf32>
      %max3A_467 = arith.maximumf %max3A_453, %gather3A_466 : vector<16xf32>
      %xor3A_468 = arith.constant 1 : i32
      %xor3A_469 = vector.broadcast %xor3A_468 : i32 to vector<16xi32>
      %xor3A_470 = arith.xori %iota3A, %xor3A_469 : vector<16xi32>
      %lt3A_471 = arith.constant 0 : i32
      %lt3A_472 = vector.broadcast %lt3A_471 : i32 to vector<16xi32>
      %lt3A_473 = arith.cmpi slt, %xor3A_470, %lt3A_472 : vector<16xi32>
      %add3A_474 = arith.constant 16 : i32
      %add3A_475 = vector.broadcast %add3A_474 : i32 to vector<16xi32>
      %add3A_476 = arith.addi %xor3A_470, %add3A_475 : vector<16xi32>
      %select_n3A_477 = arith.select %lt3A_473, %add3A_476, %xor3A_470 : vector<16xi1>, vector<16xi32>
      %broadcast_in_dim3A_478 = vector.shape_cast %select_n3A_477 : vector<16xi32> to vector<16x1xi32>
      %gather3A_479 = vector.shape_cast %broadcast_in_dim3A_478 : vector<16x1xi32> to vector<16xi32>
      %gather3A_480 = tpu.dynamic_gather %max3A_467[%gather3A_479] in [0] : vector<16xf32>, vector<16xi32> -> vector<16xf32>
      %max3A_481 = arith.maximumf %max3A_467, %gather3A_480 : vector<16xf32>
      %eq3A_482 = arith.cmpf oeq, %select_n3A_427, %max3A_481 : vector<16xf32>
      %broadcast_in_dim3A_483 = vector.broadcast %scan3A_258 : i32 to vector<16xi32>
      %select_n3A_484 = arith.select %eq3A_482, %select_n3A_428, %broadcast_in_dim3A_483 : vector<16xi1>, vector<16xi32>
      %xor3A_485 = arith.constant 8 : i32
      %xor3A_486 = vector.broadcast %xor3A_485 : i32 to vector<16xi32>
      %xor3A_487 = arith.xori %iota3A, %xor3A_486 : vector<16xi32>
      %lt3A_488 = arith.constant 0 : i32
      %lt3A_489 = vector.broadcast %lt3A_488 : i32 to vector<16xi32>
      %lt3A_490 = arith.cmpi slt, %xor3A_487, %lt3A_489 : vector<16xi32>
      %add3A_491 = arith.constant 16 : i32
      %add3A_492 = vector.broadcast %add3A_491 : i32 to vector<16xi32>
      %add3A_493 = arith.addi %xor3A_487, %add3A_492 : vector<16xi32>
      %select_n3A_494 = arith.select %lt3A_490, %add3A_493, %xor3A_487 : vector<16xi1>, vector<16xi32>
      %broadcast_in_dim3A_495 = vector.shape_cast %select_n3A_494 : vector<16xi32> to vector<16x1xi32>
      %gather3A_496 = vector.shape_cast %broadcast_in_dim3A_495 : vector<16x1xi32> to vector<16xi32>
      %gather3A_497 = tpu.dynamic_gather %select_n3A_484[%gather3A_496] in [0] : vector<16xi32>, vector<16xi32> -> vector<16xi32>
      %min3A = arith.minsi %select_n3A_484, %gather3A_497 : vector<16xi32>
      %xor3A_498 = arith.constant 4 : i32
      %xor3A_499 = vector.broadcast %xor3A_498 : i32 to vector<16xi32>
      %xor3A_500 = arith.xori %iota3A, %xor3A_499 : vector<16xi32>
      %lt3A_501 = arith.constant 0 : i32
      %lt3A_502 = vector.broadcast %lt3A_501 : i32 to vector<16xi32>
      %lt3A_503 = arith.cmpi slt, %xor3A_500, %lt3A_502 : vector<16xi32>
      %add3A_504 = arith.constant 16 : i32
      %add3A_505 = vector.broadcast %add3A_504 : i32 to vector<16xi32>
      %add3A_506 = arith.addi %xor3A_500, %add3A_505 : vector<16xi32>
      %select_n3A_507 = arith.select %lt3A_503, %add3A_506, %xor3A_500 : vector<16xi1>, vector<16xi32>
      %broadcast_in_dim3A_508 = vector.shape_cast %select_n3A_507 : vector<16xi32> to vector<16x1xi32>
      %gather3A_509 = vector.shape_cast %broadcast_in_dim3A_508 : vector<16x1xi32> to vector<16xi32>
      %gather3A_510 = tpu.dynamic_gather %min3A[%gather3A_509] in [0] : vector<16xi32>, vector<16xi32> -> vector<16xi32>
      %min3A_511 = arith.minsi %min3A, %gather3A_510 : vector<16xi32>
      %xor3A_512 = arith.constant 2 : i32
      %xor3A_513 = vector.broadcast %xor3A_512 : i32 to vector<16xi32>
      %xor3A_514 = arith.xori %iota3A, %xor3A_513 : vector<16xi32>
      %lt3A_515 = arith.constant 0 : i32
      %lt3A_516 = vector.broadcast %lt3A_515 : i32 to vector<16xi32>
      %lt3A_517 = arith.cmpi slt, %xor3A_514, %lt3A_516 : vector<16xi32>
      %add3A_518 = arith.constant 16 : i32
      %add3A_519 = vector.broadcast %add3A_518 : i32 to vector<16xi32>
      %add3A_520 = arith.addi %xor3A_514, %add3A_519 : vector<16xi32>
      %select_n3A_521 = arith.select %lt3A_517, %add3A_520, %xor3A_514 : vector<16xi1>, vector<16xi32>
      %broadcast_in_dim3A_522 = vector.shape_cast %select_n3A_521 : vector<16xi32> to vector<16x1xi32>
      %gather3A_523 = vector.shape_cast %broadcast_in_dim3A_522 : vector<16x1xi32> to vector<16xi32>
      %gather3A_524 = tpu.dynamic_gather %min3A_511[%gather3A_523] in [0] : vector<16xi32>, vector<16xi32> -> vector<16xi32>
      %min3A_525 = arith.minsi %min3A_511, %gather3A_524 : vector<16xi32>
      %xor3A_526 = arith.constant 1 : i32
      %xor3A_527 = vector.broadcast %xor3A_526 : i32 to vector<16xi32>
      %xor3A_528 = arith.xori %iota3A, %xor3A_527 : vector<16xi32>
      %lt3A_529 = arith.constant 0 : i32
      %lt3A_530 = vector.broadcast %lt3A_529 : i32 to vector<16xi32>
      %lt3A_531 = arith.cmpi slt, %xor3A_528, %lt3A_530 : vector<16xi32>
      %add3A_532 = arith.constant 16 : i32
      %add3A_533 = vector.broadcast %add3A_532 : i32 to vector<16xi32>
      %add3A_534 = arith.addi %xor3A_528, %add3A_533 : vector<16xi32>
      %select_n3A_535 = arith.select %lt3A_531, %add3A_534, %xor3A_528 : vector<16xi1>, vector<16xi32>
      %broadcast_in_dim3A_536 = vector.shape_cast %select_n3A_535 : vector<16xi32> to vector<16x1xi32>
      %gather3A_537 = vector.shape_cast %broadcast_in_dim3A_536 : vector<16x1xi32> to vector<16xi32>
      %gather3A_538 = tpu.dynamic_gather %min3A_525[%gather3A_537] in [0] : vector<16xi32>, vector<16xi32> -> vector<16xi32>
      %min3A_539 = arith.minsi %min3A_525, %gather3A_538 : vector<16xi32>
      tpu.vector_store_idx %arg5[%min3A_539], %max3A_481 masked %eq3A_256 : memref<16384xf32, #tpu.memory_space<vmem>>[vector<16xi32>], vector<16xf32>, vector<16xi1>
      %broadcast_in_dim3A_540 = arith.constant -1.000000e+00 : f32
      %broadcast_in_dim3A_541 = vector.broadcast %broadcast_in_dim3A_540 : f32 to vector<16xf32>
      tpu.vector_store_idx %arg4[%min3A_539], %broadcast_in_dim3A_541 masked %eq3A_256 : memref<16384xf32, #tpu.memory_space<vmem>>[vector<16xi32>], vector<16xf32>, vector<16xi1>
      %jit3A = arith.constant 1024 : i32
      %div3A = vector.broadcast %jit3A : i32 to vector<16xi32>
      %div3A_542 = arith.divsi %min3A_539, %div3A : vector<16xi32>
      %sign3A = arith.constant 0 : i32
      %sign3A_543 = vector.broadcast %sign3A : i32 to vector<16xi32>
      %sign3A_544 = arith.cmpi sgt, %min3A_539, %sign3A_543 : vector<16xi32>
      %sign3A_545 = arith.extui %sign3A_544 : vector<16xi1> to vector<16xi32>
      %sign3A_546 = arith.constant 0 : i32
      %sign3A_547 = vector.broadcast %sign3A_546 : i32 to vector<16xi32>
      %sign3A_548 = arith.cmpi slt, %min3A_539, %sign3A_547 : vector<16xi32>
      %sign3A_549 = arith.extui %sign3A_548 : vector<16xi1> to vector<16xi32>
      %sign3A_550 = arith.subi %sign3A_545, %sign3A_549 : vector<16xi32>
      %sign3A_551 = arith.constant 0 : i32
      %sign3A_552 = arith.cmpi sgt, %jit3A, %sign3A_551 : i32
      %sign3A_553 = arith.extui %sign3A_552 : i1 to i32
      %sign3A_554 = arith.constant 0 : i32
      %sign3A_555 = arith.cmpi slt, %jit3A, %sign3A_554 : i32
      %sign3A_556 = arith.extui %sign3A_555 : i1 to i32
      %sign3A_557 = arith.subi %sign3A_553, %sign3A_556 : i32
      %ne3A = vector.broadcast %sign3A_557 : i32 to vector<16xi32>
      %ne3A_558 = arith.cmpi ne, %sign3A_550, %ne3A : vector<16xi32>
      %rem3A = vector.broadcast %jit3A : i32 to vector<16xi32>
      %rem3A_559 = arith.remsi %min3A_539, %rem3A : vector<16xi32>
      %ne3A_560 = arith.constant 0 : i32
      %ne3A_561 = vector.broadcast %ne3A_560 : i32 to vector<16xi32>
      %ne3A_562 = arith.cmpi ne, %rem3A_559, %ne3A_561 : vector<16xi32>
      %and3A_563 = arith.andi %ne3A_558, %ne3A_562 : vector<16xi1>
      %sub3A = arith.constant 1 : i32
      %sub3A_564 = vector.broadcast %sub3A : i32 to vector<16xi32>
      %sub3A_565 = arith.subi %div3A_542, %sub3A_564 : vector<16xi32>
      %select_n3A_566 = arith.select %and3A_563, %sub3A_565, %div3A_542 : vector<16xi1>, vector<16xi32>
      %mul3A_567 = arith.constant 1024 : i32
      %mul3A_568 = vector.broadcast %mul3A_567 : i32 to vector<16xi32>
      %mul3A_569 = arith.muli %select_n3A_566, %mul3A_568 : vector<16xi32>
      %jit3A_570 = arith.constant 16 : i32
      %eq3A_571 = arith.constant 0 : i32
      %eq3A_572 = arith.cmpi eq, %jit3A_570, %eq3A_571 : i32
      %jit3A_573 = arith.constant 1 : i32
      %select_n3A_574 = arith.select %eq3A_572, %jit3A_573, %jit3A_570 : i32
      %rem3A_575 = vector.broadcast %select_n3A_574 : i32 to vector<16xi32>
      %rem3A_576 = arith.remsi %min3A_539, %rem3A_575 : vector<16xi32>
      %ne3A_577 = arith.constant 0 : i32
      %ne3A_578 = vector.broadcast %ne3A_577 : i32 to vector<16xi32>
      %ne3A_579 = arith.cmpi ne, %rem3A_576, %ne3A_578 : vector<16xi32>
      %lt3A_580 = arith.constant 0 : i32
      %lt3A_581 = vector.broadcast %lt3A_580 : i32 to vector<16xi32>
      %lt3A_582 = arith.cmpi slt, %rem3A_576, %lt3A_581 : vector<16xi32>
      %lt3A_583 = arith.constant 0 : i32
      %lt3A_584 = arith.cmpi slt, %select_n3A_574, %lt3A_583 : i32
      %ne3A_585 = vector.broadcast %lt3A_584 : i1 to vector<16xi1>
      %ne3A_586 = vector.broadcast %ne3A_585 : vector<16xi1> to vector<16xi1>
      %ne3A_587 = arith.xori %lt3A_582, %ne3A_586 : vector<16xi1>
      %and3A_588 = arith.andi %ne3A_587, %ne3A_579 : vector<16xi1>
      %add3A_589 = vector.broadcast %select_n3A_574 : i32 to vector<16xi32>
      %add3A_590 = arith.addi %rem3A_576, %add3A_589 : vector<16xi32>
      %select_n3A_591 = arith.select %and3A_588, %add3A_590, %rem3A_576 : vector<16xi1>, vector<16xi32>
      %add3A_592 = arith.addi %mul3A_569, %select_n3A_591 : vector<16xi32>
      %add3A_593 = arith.constant 0 : i32
      %add3A_594 = vector.broadcast %add3A_593 : i32 to vector<16xi32>
      %add3A_595 = arith.addi %iota3A, %add3A_594 : vector<16xi32>
      %mul3A_596 = arith.constant 16 : i32
      %mul3A_597 = vector.broadcast %mul3A_596 : i32 to vector<16xi32>
      %mul3A_598 = arith.muli %mul3A_597, %add3A_595 : vector<16xi32>
      %add3A_599 = arith.addi %add3A_592, %mul3A_598 : vector<16xi32>
      %gather3A_600 = tpu.vector_load_idx %arg4[%add3A_599] : memref<16384xf32, #tpu.memory_space<vmem>>[vector<16xi32>], vector<16xf32>,
      %add3A_601 = arith.constant 16 : i32
      %add3A_602 = vector.broadcast %add3A_601 : i32 to vector<16xi32>
      %add3A_603 = arith.addi %iota3A, %add3A_602 : vector<16xi32>
      %mul3A_604 = arith.constant 16 : i32
      %mul3A_605 = vector.broadcast %mul3A_604 : i32 to vector<16xi32>
      %mul3A_606 = arith.muli %mul3A_605, %add3A_603 : vector<16xi32>
      %add3A_607 = arith.addi %add3A_592, %mul3A_606 : vector<16xi32>
      %gather3A_608 = tpu.vector_load_idx %arg4[%add3A_607] : memref<16384xf32, #tpu.memory_space<vmem>>[vector<16xi32>], vector<16xf32>,
      %gt3A_609 = arith.cmpf ogt, %gather3A_608, %gather3A_600 : vector<16xf32>
      %eq3A_610 = arith.cmpf oeq, %gather3A_608, %gather3A_600 : vector<16xf32>
      %lt3A_611 = arith.cmpi slt, %add3A_607, %add3A_599 : vector<16xi32>
      %and3A_612 = arith.andi %eq3A_610, %lt3A_611 : vector<16xi1>
      %or3A_613 = arith.ori %gt3A_609, %and3A_612 : vector<16xi1>
      %select_n3A_614 = arith.select %or3A_613, %gather3A_608, %gather3A_600 : vector<16xi1>, vector<16xf32>
      %select_n3A_615 = arith.select %or3A_613, %add3A_607, %add3A_599 : vector<16xi1>, vector<16xi32>
      %add3A_616 = arith.constant 32 : i32
      %add3A_617 = vector.broadcast %add3A_616 : i32 to vector<16xi32>
      %add3A_618 = arith.addi %iota3A, %add3A_617 : vector<16xi32>
      %mul3A_619 = arith.constant 16 : i32
      %mul3A_620 = vector.broadcast %mul3A_619 : i32 to vector<16xi32>
      %mul3A_621 = arith.muli %mul3A_620, %add3A_618 : vector<16xi32>
      %add3A_622 = arith.addi %add3A_592, %mul3A_621 : vector<16xi32>
      %gather3A_623 = tpu.vector_load_idx %arg4[%add3A_622] : memref<16384xf32, #tpu.memory_space<vmem>>[vector<16xi32>], vector<16xf32>,
      %gt3A_624 = arith.cmpf ogt, %gather3A_623, %select_n3A_614 : vector<16xf32>
      %eq3A_625 = arith.cmpf oeq, %gather3A_623, %select_n3A_614 : vector<16xf32>
      %lt3A_626 = arith.cmpi slt, %add3A_622, %select_n3A_615 : vector<16xi32>
      %and3A_627 = arith.andi %eq3A_625, %lt3A_626 : vector<16xi1>
      %or3A_628 = arith.ori %gt3A_624, %and3A_627 : vector<16xi1>
      %select_n3A_629 = arith.select %or3A_628, %gather3A_623, %select_n3A_614 : vector<16xi1>, vector<16xf32>
      %select_n3A_630 = arith.select %or3A_628, %add3A_622, %select_n3A_615 : vector<16xi1>, vector<16xi32>
      %add3A_631 = arith.constant 48 : i32
      %add3A_632 = vector.broadcast %add3A_631 : i32 to vector<16xi32>
      %add3A_633 = arith.addi %iota3A, %add3A_632 : vector<16xi32>
      %mul3A_634 = arith.constant 16 : i32
      %mul3A_635 = vector.broadcast %mul3A_634 : i32 to vector<16xi32>
      %mul3A_636 = arith.muli %mul3A_635, %add3A_633 : vector<16xi32>
      %add3A_637 = arith.addi %add3A_592, %mul3A_636 : vector<16xi32>
      %gather3A_638 = tpu.vector_load_idx %arg4[%add3A_637] : memref<16384xf32, #tpu.memory_space<vmem>>[vector<16xi32>], vector<16xf32>,
      %gt3A_639 = arith.cmpf ogt, %gather3A_638, %select_n3A_629 : vector<16xf32>
      %eq3A_640 = arith.cmpf oeq, %gather3A_638, %select_n3A_629 : vector<16xf32>
      %lt3A_641 = arith.cmpi slt, %add3A_637, %select_n3A_630 : vector<16xi32>
      %and3A_642 = arith.andi %eq3A_640, %lt3A_641 : vector<16xi1>
      %or3A_643 = arith.ori %gt3A_639, %and3A_642 : vector<16xi1>
      %select_n3A_644 = arith.select %or3A_643, %gather3A_638, %select_n3A_629 : vector<16xi1>, vector<16xf32>
      %select_n3A_645 = arith.select %or3A_643, %add3A_637, %select_n3A_630 : vector<16xi1>, vector<16xi32>
      %xor3A_646 = arith.constant 8 : i32
      %xor3A_647 = vector.broadcast %xor3A_646 : i32 to vector<16xi32>
      %xor3A_648 = arith.xori %iota3A, %xor3A_647 : vector<16xi32>
      %lt3A_649 = arith.constant 0 : i32
      %lt3A_650 = vector.broadcast %lt3A_649 : i32 to vector<16xi32>
      %lt3A_651 = arith.cmpi slt, %xor3A_648, %lt3A_650 : vector<16xi32>
      %add3A_652 = arith.constant 16 : i32
      %add3A_653 = vector.broadcast %add3A_652 : i32 to vector<16xi32>
      %add3A_654 = arith.addi %xor3A_648, %add3A_653 : vector<16xi32>
      %select_n3A_655 = arith.select %lt3A_651, %add3A_654, %xor3A_648 : vector<16xi1>, vector<16xi32>
      %broadcast_in_dim3A_656 = vector.shape_cast %select_n3A_655 : vector<16xi32> to vector<16x1xi32>
      %gather3A_657 = vector.shape_cast %broadcast_in_dim3A_656 : vector<16x1xi32> to vector<16xi32>
      %gather3A_658 = tpu.dynamic_gather %select_n3A_644[%gather3A_657] in [0] : vector<16xf32>, vector<16xi32> -> vector<16xf32>
      %max3A_659 = arith.maximumf %select_n3A_644, %gather3A_658 : vector<16xf32>
      %xor3A_660 = arith.constant 4 : i32
      %xor3A_661 = vector.broadcast %xor3A_660 : i32 to vector<16xi32>
      %xor3A_662 = arith.xori %iota3A, %xor3A_661 : vector<16xi32>
      %lt3A_663 = arith.constant 0 : i32
      %lt3A_664 = vector.broadcast %lt3A_663 : i32 to vector<16xi32>
      %lt3A_665 = arith.cmpi slt, %xor3A_662, %lt3A_664 : vector<16xi32>
      %add3A_666 = arith.constant 16 : i32
      %add3A_667 = vector.broadcast %add3A_666 : i32 to vector<16xi32>
      %add3A_668 = arith.addi %xor3A_662, %add3A_667 : vector<16xi32>
      %select_n3A_669 = arith.select %lt3A_665, %add3A_668, %xor3A_662 : vector<16xi1>, vector<16xi32>
      %broadcast_in_dim3A_670 = vector.shape_cast %select_n3A_669 : vector<16xi32> to vector<16x1xi32>
      %gather3A_671 = vector.shape_cast %broadcast_in_dim3A_670 : vector<16x1xi32> to vector<16xi32>
      %gather3A_672 = tpu.dynamic_gather %max3A_659[%gather3A_671] in [0] : vector<16xf32>, vector<16xi32> -> vector<16xf32>
      %max3A_673 = arith.maximumf %max3A_659, %gather3A_672 : vector<16xf32>
      %xor3A_674 = arith.constant 2 : i32
      %xor3A_675 = vector.broadcast %xor3A_674 : i32 to vector<16xi32>
      %xor3A_676 = arith.xori %iota3A, %xor3A_675 : vector<16xi32>
      %lt3A_677 = arith.constant 0 : i32
      %lt3A_678 = vector.broadcast %lt3A_677 : i32 to vector<16xi32>
      %lt3A_679 = arith.cmpi slt, %xor3A_676, %lt3A_678 : vector<16xi32>
      %add3A_680 = arith.constant 16 : i32
      %add3A_681 = vector.broadcast %add3A_680 : i32 to vector<16xi32>
      %add3A_682 = arith.addi %xor3A_676, %add3A_681 : vector<16xi32>
      %select_n3A_683 = arith.select %lt3A_679, %add3A_682, %xor3A_676 : vector<16xi1>, vector<16xi32>
      %broadcast_in_dim3A_684 = vector.shape_cast %select_n3A_683 : vector<16xi32> to vector<16x1xi32>
      %gather3A_685 = vector.shape_cast %broadcast_in_dim3A_684 : vector<16x1xi32> to vector<16xi32>
      %gather3A_686 = tpu.dynamic_gather %max3A_673[%gather3A_685] in [0] : vector<16xf32>, vector<16xi32> -> vector<16xf32>
      %max3A_687 = arith.maximumf %max3A_673, %gather3A_686 : vector<16xf32>
      %xor3A_688 = arith.constant 1 : i32
      %xor3A_689 = vector.broadcast %xor3A_688 : i32 to vector<16xi32>
      %xor3A_690 = arith.xori %iota3A, %xor3A_689 : vector<16xi32>
      %lt3A_691 = arith.constant 0 : i32
      %lt3A_692 = vector.broadcast %lt3A_691 : i32 to vector<16xi32>
      %lt3A_693 = arith.cmpi slt, %xor3A_690, %lt3A_692 : vector<16xi32>
      %add3A_694 = arith.constant 16 : i32
      %add3A_695 = vector.broadcast %add3A_694 : i32 to vector<16xi32>
      %add3A_696 = arith.addi %xor3A_690, %add3A_695 : vector<16xi32>
      %select_n3A_697 = arith.select %lt3A_693, %add3A_696, %xor3A_690 : vector<16xi1>, vector<16xi32>
      %broadcast_in_dim3A_698 = vector.shape_cast %select_n3A_697 : vector<16xi32> to vector<16x1xi32>
      %gather3A_699 = vector.shape_cast %broadcast_in_dim3A_698 : vector<16x1xi32> to vector<16xi32>
      %gather3A_700 = tpu.dynamic_gather %max3A_687[%gather3A_699] in [0] : vector<16xf32>, vector<16xi32> -> vector<16xf32>
      %max3A_701 = arith.maximumf %max3A_687, %gather3A_700 : vector<16xf32>
      %eq3A_702 = arith.cmpf oeq, %select_n3A_644, %max3A_701 : vector<16xf32>
      %broadcast_in_dim3A_703 = vector.broadcast %scan3A_258 : i32 to vector<16xi32>
      %select_n3A_704 = arith.select %eq3A_702, %select_n3A_645, %broadcast_in_dim3A_703 : vector<16xi1>, vector<16xi32>
      %xor3A_705 = arith.constant 8 : i32
      %xor3A_706 = vector.broadcast %xor3A_705 : i32 to vector<16xi32>
      %xor3A_707 = arith.xori %iota3A, %xor3A_706 : vector<16xi32>
      %lt3A_708 = arith.constant 0 : i32
      %lt3A_709 = vector.broadcast %lt3A_708 : i32 to vector<16xi32>
      %lt3A_710 = arith.cmpi slt, %xor3A_707, %lt3A_709 : vector<16xi32>
      %add3A_711 = arith.constant 16 : i32
      %add3A_712 = vector.broadcast %add3A_711 : i32 to vector<16xi32>
      %add3A_713 = arith.addi %xor3A_707, %add3A_712 : vector<16xi32>
      %select_n3A_714 = arith.select %lt3A_710, %add3A_713, %xor3A_707 : vector<16xi1>, vector<16xi32>
      %broadcast_in_dim3A_715 = vector.shape_cast %select_n3A_714 : vector<16xi32> to vector<16x1xi32>
      %gather3A_716 = vector.shape_cast %broadcast_in_dim3A_715 : vector<16x1xi32> to vector<16xi32>
      %gather3A_717 = tpu.dynamic_gather %select_n3A_704[%gather3A_716] in [0] : vector<16xi32>, vector<16xi32> -> vector<16xi32>
      %min3A_718 = arith.minsi %select_n3A_704, %gather3A_717 : vector<16xi32>
      %xor3A_719 = arith.constant 4 : i32
      %xor3A_720 = vector.broadcast %xor3A_719 : i32 to vector<16xi32>
      %xor3A_721 = arith.xori %iota3A, %xor3A_720 : vector<16xi32>
      %lt3A_722 = arith.constant 0 : i32
      %lt3A_723 = vector.broadcast %lt3A_722 : i32 to vector<16xi32>
      %lt3A_724 = arith.cmpi slt, %xor3A_721, %lt3A_723 : vector<16xi32>
      %add3A_725 = arith.constant 16 : i32
      %add3A_726 = vector.broadcast %add3A_725 : i32 to vector<16xi32>
      %add3A_727 = arith.addi %xor3A_721, %add3A_726 : vector<16xi32>
      %select_n3A_728 = arith.select %lt3A_724, %add3A_727, %xor3A_721 : vector<16xi1>, vector<16xi32>
      %broadcast_in_dim3A_729 = vector.shape_cast %select_n3A_728 : vector<16xi32> to vector<16x1xi32>
      %gather3A_730 = vector.shape_cast %broadcast_in_dim3A_729 : vector<16x1xi32> to vector<16xi32>
      %gather3A_731 = tpu.dynamic_gather %min3A_718[%gather3A_730] in [0] : vector<16xi32>, vector<16xi32> -> vector<16xi32>
      %min3A_732 = arith.minsi %min3A_718, %gather3A_731 : vector<16xi32>
      %xor3A_733 = arith.constant 2 : i32
      %xor3A_734 = vector.broadcast %xor3A_733 : i32 to vector<16xi32>
      %xor3A_735 = arith.xori %iota3A, %xor3A_734 : vector<16xi32>
      %lt3A_736 = arith.constant 0 : i32
      %lt3A_737 = vector.broadcast %lt3A_736 : i32 to vector<16xi32>
      %lt3A_738 = arith.cmpi slt, %xor3A_735, %lt3A_737 : vector<16xi32>
      %add3A_739 = arith.constant 16 : i32
      %add3A_740 = vector.broadcast %add3A_739 : i32 to vector<16xi32>
      %add3A_741 = arith.addi %xor3A_735, %add3A_740 : vector<16xi32>
      %select_n3A_742 = arith.select %lt3A_738, %add3A_741, %xor3A_735 : vector<16xi1>, vector<16xi32>
      %broadcast_in_dim3A_743 = vector.shape_cast %select_n3A_742 : vector<16xi32> to vector<16x1xi32>
      %gather3A_744 = vector.shape_cast %broadcast_in_dim3A_743 : vector<16x1xi32> to vector<16xi32>
      %gather3A_745 = tpu.dynamic_gather %min3A_732[%gather3A_744] in [0] : vector<16xi32>, vector<16xi32> -> vector<16xi32>
      %min3A_746 = arith.minsi %min3A_732, %gather3A_745 : vector<16xi32>
      %xor3A_747 = arith.constant 1 : i32
      %xor3A_748 = vector.broadcast %xor3A_747 : i32 to vector<16xi32>
      %xor3A_749 = arith.xori %iota3A, %xor3A_748 : vector<16xi32>
      %lt3A_750 = arith.constant 0 : i32
      %lt3A_751 = vector.broadcast %lt3A_750 : i32 to vector<16xi32>
      %lt3A_752 = arith.cmpi slt, %xor3A_749, %lt3A_751 : vector<16xi32>
      %add3A_753 = arith.constant 16 : i32
      %add3A_754 = vector.broadcast %add3A_753 : i32 to vector<16xi32>
      %add3A_755 = arith.addi %xor3A_749, %add3A_754 : vector<16xi32>
      %select_n3A_756 = arith.select %lt3A_752, %add3A_755, %xor3A_749 : vector<16xi1>, vector<16xi32>
      %broadcast_in_dim3A_757 = vector.shape_cast %select_n3A_756 : vector<16xi32> to vector<16x1xi32>
      %gather3A_758 = vector.shape_cast %broadcast_in_dim3A_757 : vector<16x1xi32> to vector<16xi32>
      %gather3A_759 = tpu.dynamic_gather %min3A_746[%gather3A_758] in [0] : vector<16xi32>, vector<16xi32> -> vector<16xi32>
      %min3A_760 = arith.minsi %min3A_746, %gather3A_759 : vector<16xi32>
      %jit3A_761 = arith.constant 1024 : i32
      %div3A_762 = vector.broadcast %jit3A_761 : i32 to vector<16xi32>
      %div3A_763 = arith.divsi %min3A_539, %div3A_762 : vector<16xi32>
      %sign3A_764 = arith.constant 0 : i32
      %sign3A_765 = vector.broadcast %sign3A_764 : i32 to vector<16xi32>
      %sign3A_766 = arith.cmpi sgt, %min3A_539, %sign3A_765 : vector<16xi32>
      %sign3A_767 = arith.extui %sign3A_766 : vector<16xi1> to vector<16xi32>
      %sign3A_768 = arith.constant 0 : i32
      %sign3A_769 = vector.broadcast %sign3A_768 : i32 to vector<16xi32>
      %sign3A_770 = arith.cmpi slt, %min3A_539, %sign3A_769 : vector<16xi32>
      %sign3A_771 = arith.extui %sign3A_770 : vector<16xi1> to vector<16xi32>
      %sign3A_772 = arith.subi %sign3A_767, %sign3A_771 : vector<16xi32>
      %sign3A_773 = arith.constant 0 : i32
      %sign3A_774 = arith.cmpi sgt, %jit3A_761, %sign3A_773 : i32
      %sign3A_775 = arith.extui %sign3A_774 : i1 to i32
      %sign3A_776 = arith.constant 0 : i32
      %sign3A_777 = arith.cmpi slt, %jit3A_761, %sign3A_776 : i32
      %sign3A_778 = arith.extui %sign3A_777 : i1 to i32
      %sign3A_779 = arith.subi %sign3A_775, %sign3A_778 : i32
      %ne3A_780 = vector.broadcast %sign3A_779 : i32 to vector<16xi32>
      %ne3A_781 = arith.cmpi ne, %sign3A_772, %ne3A_780 : vector<16xi32>
      %rem3A_782 = vector.broadcast %jit3A_761 : i32 to vector<16xi32>
      %rem3A_783 = arith.remsi %min3A_539, %rem3A_782 : vector<16xi32>
      %ne3A_784 = arith.constant 0 : i32
      %ne3A_785 = vector.broadcast %ne3A_784 : i32 to vector<16xi32>
      %ne3A_786 = arith.cmpi ne, %rem3A_783, %ne3A_785 : vector<16xi32>
      %and3A_787 = arith.andi %ne3A_781, %ne3A_786 : vector<16xi1>
      %sub3A_788 = arith.constant 1 : i32
      %sub3A_789 = vector.broadcast %sub3A_788 : i32 to vector<16xi32>
      %sub3A_790 = arith.subi %div3A_763, %sub3A_789 : vector<16xi32>
      %select_n3A_791 = arith.select %and3A_787, %sub3A_790, %div3A_763 : vector<16xi1>, vector<16xi32>
      %mul3A_792 = arith.constant 16 : i32
      %mul3A_793 = vector.broadcast %mul3A_792 : i32 to vector<16xi32>
      %mul3A_794 = arith.muli %select_n3A_791, %mul3A_793 : vector<16xi32>
      %jit3A_795 = arith.constant 16 : i32
      %eq3A_796 = arith.constant 0 : i32
      %eq3A_797 = arith.cmpi eq, %jit3A_795, %eq3A_796 : i32
      %jit3A_798 = arith.constant 1 : i32
      %select_n3A_799 = arith.select %eq3A_797, %jit3A_798, %jit3A_795 : i32
      %rem3A_800 = vector.broadcast %select_n3A_799 : i32 to vector<16xi32>
      %rem3A_801 = arith.remsi %min3A_539, %rem3A_800 : vector<16xi32>
      %ne3A_802 = arith.constant 0 : i32
      %ne3A_803 = vector.broadcast %ne3A_802 : i32 to vector<16xi32>
      %ne3A_804 = arith.cmpi ne, %rem3A_801, %ne3A_803 : vector<16xi32>
      %lt3A_805 = arith.constant 0 : i32
      %lt3A_806 = vector.broadcast %lt3A_805 : i32 to vector<16xi32>
      %lt3A_807 = arith.cmpi slt, %rem3A_801, %lt3A_806 : vector<16xi32>
      %lt3A_808 = arith.constant 0 : i32
      %lt3A_809 = arith.cmpi slt, %select_n3A_799, %lt3A_808 : i32
      %ne3A_810 = vector.broadcast %lt3A_809 : i1 to vector<16xi1>
      %ne3A_811 = vector.broadcast %ne3A_810 : vector<16xi1> to vector<16xi1>
      %ne3A_812 = arith.xori %lt3A_807, %ne3A_811 : vector<16xi1>
      %and3A_813 = arith.andi %ne3A_812, %ne3A_804 : vector<16xi1>
      %add3A_814 = vector.broadcast %select_n3A_799 : i32 to vector<16xi32>
      %add3A_815 = arith.addi %rem3A_801, %add3A_814 : vector<16xi32>
      %select_n3A_816 = arith.select %and3A_813, %add3A_815, %rem3A_801 : vector<16xi1>, vector<16xi32>
      %add3A_817 = arith.addi %mul3A_794, %select_n3A_816 : vector<16xi32>
      tpu.vector_store_idx %arg6[%add3A_817], %max3A_701 masked %eq3A_256 : memref<256xf32, #tpu.memory_space<vmem>>[vector<16xi32>], vector<16xf32>, vector<16xi1>
      tpu.vector_store_idx %arg7[%add3A_817], %min3A_760 masked %eq3A_256 : memref<256xi32, #tpu.memory_space<vmem>>[vector<16xi32>], vector<16xi32>, vector<16xi1>
    }
    %scan3A_263 = arith.constant 32 : i32
    "tpu.region"() ({
      %run_scoped3A = tpu.sem_alloc : memref<!tpu.dma_semaphore, #tpu.memory_space<semaphore_mem>>
      %dma_start3A_264 = arith.constant 0 : i32
      %dma_start3A_265 = tpu.memref_slice %arg3[%add3A, %dma_start3A_264] : memref<32x16384xf32, #tpu.memory_space<hbm>> -> memref<1x16384xf32, #tpu.memory_space<hbm>>
      %dma_start3A_266 = tpu.memref_squeeze %dma_start3A_265 : memref<1x16384xf32, #tpu.memory_space<hbm>> -> memref<16384xf32, #tpu.memory_space<hbm>>
      %dma_start3A_267 = arith.constant 0 : i32
      %dma_start3A_268 = tpu.memref_slice %arg3[%add3A, %dma_start3A_267] : memref<32x16384xf32, #tpu.memory_space<hbm>> -> memref<1x16384xf32, #tpu.memory_space<hbm>>
      %dma_start3A_269 = tpu.memref_squeeze %dma_start3A_268 : memref<1x16384xf32, #tpu.memory_space<hbm>> -> memref<16384xf32, #tpu.memory_space<hbm>>
      tpu.enqueue_dma source(%arg5 : memref<16384xf32, #tpu.memory_space<vmem>>) target(%dma_start3A_269 : memref<16384xf32, #tpu.memory_space<hbm>>) target_semaphore(%run_scoped3A : memref<!tpu.dma_semaphore, #tpu.memory_space<semaphore_mem>>)
      %dma_wait3A_270 = arith.constant 0 : i32
      %dma_wait3A_271 = tpu.memref_slice %arg3[%add3A, %dma_wait3A_270] : memref<32x16384xf32, #tpu.memory_space<hbm>> -> memref<1x16384xf32, #tpu.memory_space<hbm>>
      %dma_wait3A_272 = tpu.memref_squeeze %dma_wait3A_271 : memref<1x16384xf32, #tpu.memory_space<hbm>> -> memref<16384xf32, #tpu.memory_space<hbm>>
      %dma_wait3A_273 = arith.constant 0 : i32
      %dma_wait3A_274 = tpu.memref_slice %arg3[%add3A, %dma_wait3A_273] : memref<32x16384xf32, #tpu.memory_space<hbm>> -> memref<1x16384xf32, #tpu.memory_space<hbm>>
      %dma_wait3A_275 = tpu.memref_squeeze %dma_wait3A_274 : memref<1x16384xf32, #tpu.memory_space<hbm>> -> memref<16384xf32, #tpu.memory_space<hbm>>
      tpu.wait_dma2 semaphore(%run_scoped3A : memref<!tpu.dma_semaphore, #tpu.memory_space<semaphore_mem>>) src(%arg5 : memref<16384xf32, #tpu.memory_space<vmem>>) dst(%dma_wait3A_275 : memref<16384xf32, #tpu.memory_space<hbm>>)
      tpu.yield
    }) : () -> ()
    return
  }
}

module attributes {stable_mosaic.version = 14 : i64} {
  func.func @_dec_body(%arg0: i32, %arg1: memref<32x1024xf32, #tpu.memory_space<vmem>>, %arg2: memref<2048x1024xf32, #tpu.memory_space<vmem>>, %arg3: memref<1x2048xf32, #tpu.memory_space<vmem>>, %arg4: memref<32x2048xf32, #tpu.memory_space<vmem>>) attributes {dimension_semantics = [#tpu.dimension_semantics<arbitrary>], iteration_bounds = array<i64: 16>, scalar_prefetch = 0 : i64, scratch_operands = 0 : i64, tpu.core_type = #tpu.core_type<tc>, window_params = [{transform_indices = @transform_0, window_bounds = array<i64: 32, 1024>}, {transform_indices = @transform_1, window_bounds = array<i64: 2048, 1024>}, {pipeline_mode = #tpu.pipeline_mode<synchronous>, transform_indices = @transform_2, window_bounds = array<i64: 1, 2048>}, {pipeline_mode = #tpu.pipeline_mode<synchronous>, transform_indices = @transform_3, window_bounds = array<i64: 32, 2048>}]} {
    %eq3A = arith.constant 0 : i32
    %eq3A_0 = arith.cmpi eq, %arg0, %eq3A : i32
    %convert_element_type3A = arith.extui %eq3A_0 : i1 to i32
    %cond3A = arith.constant 0 : i32
    %cond3A_1 = arith.cmpi ne, %convert_element_type3A, %cond3A : i32
    scf.if %cond3A_1 {
      %get3A_13 = arith.constant 0 : index
      %get3A_14 = arith.constant 0 : index
      %get3A_15 = vector.load %arg3[%get3A_13, %get3A_14] : memref<1x2048xf32, #tpu.memory_space<vmem>>, vector<1x2048xf32>
      %get3A_16 = vector.shape_cast %get3A_15 : vector<1x2048xf32> to vector<2048xf32>
      %broadcast_in_dim3A = vector.shape_cast %get3A_16 : vector<2048xf32> to vector<1x2048xf32>
      %broadcast_in_dim3A_17 = vector.shape_cast %broadcast_in_dim3A : vector<1x2048xf32> to vector<1x2048xf32>
      %broadcast_in_dim3A_18 = vector.broadcast %broadcast_in_dim3A_17 : vector<1x2048xf32> to vector<32x2048xf32>
      %swap3A_19 = arith.constant 0 : index
      %swap3A_20 = arith.constant 0 : index
      %swap3A_21 = vector.load %arg4[%swap3A_19, %swap3A_20] : memref<32x2048xf32, #tpu.memory_space<vmem>>, vector<32x2048xf32>
      tpu.vector_store %arg4[%swap3A_19, %swap3A_20], %broadcast_in_dim3A_18 {strides = array<i32>} : memref<32x2048xf32, #tpu.memory_space<vmem>>, vector<32x2048xf32>,
    } else {
    }
    %get3A = arith.constant 0 : index
    %get3A_2 = arith.constant 0 : index
    %get3A_3 = vector.load %arg4[%get3A, %get3A_2] : memref<32x2048xf32, #tpu.memory_space<vmem>>, vector<32x2048xf32>
    %get3A_4 = arith.constant 0 : index
    %get3A_5 = arith.constant 0 : index
    %get3A_6 = vector.load %arg1[%get3A_4, %get3A_5] : memref<32x1024xf32, #tpu.memory_space<vmem>>, vector<32x1024xf32>
    %get3A_7 = arith.constant 0 : index
    %get3A_8 = arith.constant 0 : index
    %get3A_9 = vector.load %arg2[%get3A_7, %get3A_8] : memref<2048x1024xf32, #tpu.memory_space<vmem>>, vector<2048x1024xf32>
    %dot_general3A = arith.constant dense<0.000000e+00> : vector<32x2048xf32>
    %dot_general3A_10 = tpu.matmul %get3A_6, %get3A_9, %dot_general3A {dimension_numbers = #tpu.dot_dimension_numbers<[1], [1], [0], [0], [0, 0, 1, 0], [], []>, transpose_lhs_hint = false} : vector<32x1024xf32>, vector<2048x1024xf32>, vector<32x2048xf32> -> vector<32x2048xf32>
    %add3A = arith.addf %get3A_3, %dot_general3A_10 : vector<32x2048xf32>
    %swap3A = arith.constant 0 : index
    %swap3A_11 = arith.constant 0 : index
    %swap3A_12 = vector.load %arg4[%swap3A, %swap3A_11] : memref<32x2048xf32, #tpu.memory_space<vmem>>, vector<32x2048xf32>
    tpu.vector_store %arg4[%swap3A, %swap3A_11], %add3A {strides = array<i32>} : memref<32x2048xf32, #tpu.memory_space<vmem>>, vector<32x2048xf32>,
    return
  }
  func.func @transform_0(%arg0: i32) -> (i32, i32) {
    %c0_i32 = arith.constant 0 : i32
    %c0_i32_0 = arith.constant 0 : i32
    return %c0_i32, %arg0 : i32, i32
  }
  func.func @transform_1(%arg0: i32) -> (i32, i32) {
    %c0_i32 = arith.constant 0 : i32
    %c0_i32_0 = arith.constant 0 : i32
    return %c0_i32, %arg0 : i32, i32
  }
  func.func @transform_2(%arg0: i32) -> (i32, i32) {
    %c0_i32 = arith.constant 0 : i32
    %c0_i32_0 = arith.constant 0 : i32
    %c0_i32_1 = arith.constant 0 : i32
    return %c0_i32, %c0_i32_0 : i32, i32
  }
  func.func @transform_3(%arg0: i32) -> (i32, i32) {
    %c0_i32 = arith.constant 0 : i32
    %c0_i32_0 = arith.constant 0 : i32
    %c0_i32_1 = arith.constant 0 : i32
    return %c0_i32, %c0_i32_0 : i32, i32
  }
}

module attributes {stable_mosaic.version = 14 : i64} {
  func.func @_enc_body(%arg0: i32, %arg1: memref<32x2048xf32, #tpu.memory_space<vmem>>, %arg2: memref<1024x2048xf32, #tpu.memory_space<vmem>>, %arg3: memref<1x1024xf32, #tpu.memory_space<vmem>>, %arg4: memref<32x1024xf32, #tpu.memory_space<vmem>>) attributes {dimension_semantics = [#tpu.dimension_semantics<arbitrary>], iteration_bounds = array<i64: 16>, scalar_prefetch = 0 : i64, scratch_operands = 0 : i64, tpu.core_type = #tpu.core_type<tc>, window_params = [{pipeline_mode = #tpu.pipeline_mode<synchronous>, transform_indices = @transform_0, window_bounds = array<i64: 32, 2048>}, {transform_indices = @transform_1, window_bounds = array<i64: 1024, 2048>}, {transform_indices = @transform_2, window_bounds = array<i64: 1, 1024>}, {transform_indices = @transform_3, window_bounds = array<i64: 32, 1024>}]} {
    %get3A = arith.constant 0 : index
    %get3A_0 = arith.constant 0 : index
    %get3A_1 = vector.load %arg1[%get3A, %get3A_0] : memref<32x2048xf32, #tpu.memory_space<vmem>>, vector<32x2048xf32>
    %get3A_2 = arith.constant 0 : index
    %get3A_3 = arith.constant 0 : index
    %get3A_4 = vector.load %arg2[%get3A_2, %get3A_3] : memref<1024x2048xf32, #tpu.memory_space<vmem>>, vector<1024x2048xf32>
    %dot_general3A = arith.constant dense<0.000000e+00> : vector<32x1024xf32>
    %dot_general3A_5 = tpu.matmul %get3A_1, %get3A_4, %dot_general3A {dimension_numbers = #tpu.dot_dimension_numbers<[1], [1], [0], [0], [0, 0, 1, 0], [], []>, transpose_lhs_hint = false} : vector<32x2048xf32>, vector<1024x2048xf32>, vector<32x1024xf32> -> vector<32x1024xf32>
    %get3A_6 = arith.constant 0 : index
    %get3A_7 = arith.constant 0 : index
    %get3A_8 = vector.load %arg3[%get3A_6, %get3A_7] : memref<1x1024xf32, #tpu.memory_space<vmem>>, vector<1x1024xf32>
    %get3A_9 = vector.shape_cast %get3A_8 : vector<1x1024xf32> to vector<1024xf32>
    %broadcast_in_dim3A = vector.shape_cast %get3A_9 : vector<1024xf32> to vector<1x1024xf32>
    %add3A = vector.broadcast %broadcast_in_dim3A : vector<1x1024xf32> to vector<32x1024xf32>
    %add3A_10 = arith.addf %dot_general3A_5, %add3A : vector<32x1024xf32>
    %max3A = arith.constant 0.000000e+00 : f32
    %max3A_11 = vector.broadcast %max3A : f32 to vector<32x1024xf32>
    %max3A_12 = arith.maximumf %add3A_10, %max3A_11 : vector<32x1024xf32>
    %swap3A = arith.constant 0 : index
    %swap3A_13 = arith.constant 0 : index
    %swap3A_14 = vector.load %arg4[%swap3A, %swap3A_13] : memref<32x1024xf32, #tpu.memory_space<vmem>>, vector<32x1024xf32>
    tpu.vector_store %arg4[%swap3A, %swap3A_13], %max3A_12 {strides = array<i32>} : memref<32x1024xf32, #tpu.memory_space<vmem>>, vector<32x1024xf32>,
    return
  }
  func.func @transform_0(%arg0: i32) -> (i32, i32) {
    %c0_i32 = arith.constant 0 : i32
    %c0_i32_0 = arith.constant 0 : i32
    %c0_i32_1 = arith.constant 0 : i32
    return %c0_i32, %c0_i32_0 : i32, i32
  }
  func.func @transform_1(%arg0: i32) -> (i32, i32) {
    %c0_i32 = arith.constant 0 : i32
    %c0_i32_0 = arith.constant 0 : i32
    return %arg0, %c0_i32 : i32, i32
  }
  func.func @transform_2(%arg0: i32) -> (i32, i32) {
    %c0_i32 = arith.constant 0 : i32
    %c0_i32_0 = arith.constant 0 : i32
    return %c0_i32, %arg0 : i32, i32
  }
  func.func @transform_3(%arg0: i32) -> (i32, i32) {
    %c0_i32 = arith.constant 0 : i32
    %c0_i32_0 = arith.constant 0 : i32
    return %c0_i32, %arg0 : i32, i32
  }
}

</mosaic_0001>

<sc_bundles>
// kernel: kernel.5.cloned.1.call-start
scs
__scs_entry_jumppad:
0x0: {  	(pc) =	sbr.rel $0x88, $3  }
0x1: {  	(tag) =	ssettag $0x0;
	lr =	simm.s32 $0x1  }
0x2: {  	[smem:$0x3F9C] =	sst lr;
	_ =	strace $0xD0000000  }
0x3: {  	_ = 	snop  }
0x4: {  	_ = 	snop  }
0x5: {  	_ = 	snop  }
0x6: {  	_ = 	snop  }
0x7: {  	_ = 	snop  }
__scs_overlays_trampoline_lowered:
0x8: {  	[smem:$0x3FAB] =	sst s0  }
0x9: {  	[smem:$0x3FAC] =	sst s1  }
0xa: {  	[smem:$0x3FAD] =	sst s2  }
0xb: {  	[smem:$0x3FAE] =	sst s3  }
0xc: {  	[smem:$0x3FAF] =	sst s4  }
0xd: {  	[smem:$0x3FB0] =	sst s5  }
0xe: {  	[smem:$0x3FB1] =	sst s6  }
0xf: {  	[smem:$0x3FB2] =	sst s7  }
0x10: {  	[smem:$0x3FB3] =	sst s8  }
0x11: {  	[smem:$0x3FB4] =	sst s9;
	s0 =	simm.s32 @!p0 $0x0  }
0x12: {  	s1 =	sld [smem:$0x3F9A];
	s0 =	simm.s32 @p0 $0x1  }
0x13: {  	[smem:$0x3FB5] =	sst s0;
	s0 =	simm.s32 @!p1 $0x0  }
0x14: {  	s2 =	sld [smem:$0x3F99];
	s0 =	simm.s32 @p1 $0x1  }
0x15: {  	[smem:$0x3FB6] =	sst s0;
	s0 =	simm.s32 @!p2 $0x0  }
0x16: {  	s3 =	sld [smem:$0x3FDB];
	s0 =	simm.s32 @p2 $0x1  }
0x17: {  	s4 =	simm.s32 $0x1BF5;
	[smem:$0x3FB8] =	sst s0  }
0x18: {  	s0 =	sld [smem:$0x3F9B];
	_ =	swait.ge [sflag:s4], $0x0  }
0x19: {  	s7 =	sld [smem:$0x3F9C]  }
0x1a: {  	s8 =	sadd.s32 $0xFFFFE003, lr  }
0x1b: {  	s9 =	sadd.s32 $0xFFFFFEF7, lr;
	s5 =	simm.s32 $0xFFFFFFFF;
	p2 =	slt.u32 s8, $0xFFFFF086  }
0x1c: {  	p1 =	slt.u32 s9, $0xF7A;
	s5 =	simm.s32 @!p2 $0x0  }
0x1d: {  	s5 =	simm.s32 @p1 $0x1;
	p0 =	seq.s32 s7, s2  }
0x1e: {  	s7 =	smul.u32 @!p0 $0xF7A, s2;
	p2 =	seq.s32 @!p0 s5, $0x0  }
0x1f: {  	s9 =	smul.u32 $0xF7A, s1;
	s8 =	simm.s32 @!p0 $0x1BF5;
	p2 =	por !p2, p0  }
0x20: {  	[sflag:s8] =	ssyncset.s32 @!p0 $0xFFFFF086;
	s6 =	sadd.s32 @!p0 s3, s7;
	s7 =	simm.s32 @!p0 $0x108  }
0x21: {  	s3 =	sadd.s32 s3, s9;
	s6 =	sadd.s32 @!p0 $0x88, s6;
	s7 =	simm.s32 @p2 $0x1082  }
0x22: {  	[simem:s7], [sflag:s8] =	dma.local @!p0 [hbm:s6], $0xF7A  }
0x23: {  	s9 =	sor.u32 $0xD0000000, s2;
	s6 =	simm.s32 $0x108;
	_ =	swait.ge @!p0 [sflag:s8], $0x0  }
0x24: {  	s3 =	sadd.s32 $0x88, s3;
	s6 =	simm.s32 @!p1 $0x1082;
	[sflag:s4] =	ssyncset.s32 $0xFFFFF086  }
0x25: {  	[simem:s6], [sflag:s4] =	dma.local [hbm:s3], $0xF7A  }
0x26: {  	[smem:$0x3F9C] =	sst s1;
	(tag) =	ssettag s2;
	_ =	strace s9  }
0x27: {  	s1 =	sld [smem:$0x3FAC]  }
0x28: {  	s2 =	sld [smem:$0x3FAD]  }
0x29: {  	s4 =	sld [smem:$0x3FAF]  }
0x2a: {  	p0 =	seq.s32 s5, $0x0;
	s5 =	sld [smem:$0x3FB0]  }
0x2b: {  	s6 =	sld [smem:$0x3FB1]  }
0x2c: {  	s7 =	sld [smem:$0x3FB2]  }
0x2d: {  	s3 =	simm.s32 $0x108;
	s8 =	sld [smem:$0x3FB3]  }
0x2e: {  	s3 =	simm.s32 @!p0 $0x1082;
	s9 =	sld [smem:$0x3FB4]  }
0x2f: {  	lr =	sadd.s32 s0, s3;
	s0 =	sld [smem:$0x3FAB]  }
0x30: {  	s3 =	sld [smem:$0x3FAE]  }
0x31: {  	[smem:$0x3FB7] =	sst s10  }
0x32: {  	s10 =	sld [smem:$0x3FB5];
	_ =	sdelay $0x3  }
0x33: {  	p0 =	seq.s32 s10, $0x1;
	s10 =	sld [smem:$0x3FB7];
	_ =	sdelay $0x3  }
0x34: {  	[smem:$0x3FB7] =	sst s10  }
0x35: {  	s10 =	sld [smem:$0x3FB6];
	_ =	sdelay $0x3  }
0x36: {  	p1 =	seq.s32 s10, $0x1;
	s10 =	sld [smem:$0x3FB7];
	_ =	sdelay $0x3  }
0x37: {  	[smem:$0x3FB7] =	sst s10  }
0x38: {  	s10 =	sld [smem:$0x3FB8]  }
0x39: {  	_ = 	snop;
	(pc) =	sbr.ind lr, $3  }
0x3a: {  	_ = 	snop  }
0x3b: {  	_ = 	snop  }
0x3c: {  	p2 =	seq.s32 s10, $0x1;
	s10 =	sld [smem:$0x3FB7]  }
0x3d: {  	_ =	shalt  }
0x3e: {  	_ =	shalt  }
0x3f: {  	_ =	shalt  }
0x40: {  	_ =	shalt  }
0x41: {  	_ =	shalt  }
0x42: {  	_ =	shalt  }
0x43: {  	_ =	shalt  }
0x44: {  	_ =	shalt  }
0x45: {  	_ =	shalt  }
0x46: {  	_ =	shalt  }
0x47: {  	_ =	shalt  }
0x48: {  	_ =	shalt  }
0x49: {  	_ =	shalt  }
0x4a: {  	_ =	shalt  }
0x4b: {  	_ =	shalt  }
0x4c: {  	_ =	shalt  }
0x4d: {  	_ =	shalt  }
0x4e: {  	_ =	shalt  }
0x4f: {  	_ =	shalt  }
0x50: {  	_ =	shalt  }
0x51: {  	_ =	shalt  }
0x52: {  	_ =	shalt  }
0x53: {  	_ =	shalt  }
0x54: {  	_ =	shalt  }
0x55: {  	_ =	shalt  }
0x56: {  	_ =	shalt  }
0x57: {  	_ =	shalt  }
0x58: {  	_ =	shalt  }
0x59: {  	_ =	shalt  }
0x5a: {  	_ =	shalt  }
0x5b: {  	_ =	shalt  }
0x5c: {  	_ =	shalt  }
0x5d: {  	_ =	shalt  }
0x5e: {  	_ =	shalt  }
0x5f: {  	_ =	shalt  }
0x60: {  	_ =	shalt  }
0x61: {  	_ =	shalt  }
0x62: {  	_ =	shalt  }
0x63: {  	_ =	shalt  }
0x64: {  	_ =	shalt  }
0x65: {  	_ =	shalt  }
0x66: {  	_ =	shalt  }
0x67: {  	_ =	shalt  }
0x68: {  	_ =	shalt  }
0x69: {  	_ =	shalt  }
0x6a: {  	_ =	shalt  }
0x6b: {  	_ =	shalt  }
0x6c: {  	_ =	shalt  }
0x6d: {  	_ =	shalt  }
0x6e: {  	_ =	shalt  }
0x6f: {  	_ =	shalt  }
0x70: {  	_ =	shalt  }
0x71: {  	_ =	shalt  }
0x72: {  	_ =	shalt  }
0x73: {  	_ =	shalt  }
0x74: {  	_ =	shalt  }
0x75: {  	_ =	shalt  }
0x76: {  	_ =	shalt  }
0x77: {  	_ =	shalt  }
0x78: {  	_ =	shalt  }
0x79: {  	_ =	shalt  }
0x7a: {  	_ =	shalt  }
0x7b: {  	_ =	shalt  }
0x7c: {  	_ =	shalt  }
0x7d: {  	_ =	shalt  }
0x7e: {  	_ =	shalt  }
0x7f: {  	_ =	shalt  }
0x80: {  	_ =	shalt  }
0x81: {  	_ =	shalt  }
0x82: {  	_ =	shalt  }
0x83: {  	_ =	shalt  }
0x84: {  	_ =	shalt  }
0x85: {  	_ =	shalt  }
0x86: {  	_ =	shalt  }
0x87: {  	_ =	shalt  }
.Lfunc_end0:
.L_simem_size_0:
called_computation_lowered:
.L_overlay_start_0:
0x88: {  	s2 =	sld [smem:$0x3FD9]  }
0x89: {  	s3 =	sld [smem:$0x3FFE];
	_ =	sdelay $0x1  }
0x8a: {  	s1 =	srdreg.scid  }
0x8b: {  	s0 =	sand.u32 $0x1, s1  }
0x8c: {  	s14 =	sshll.u32 s0, $0xA;
	s2 =	sadd.s32 s3, s2  }
0x8d: {  	s2 =	sadd.s32 s2, s14  }
0x8e: {  	[smem:$0x3FC3] =	sst s2  }
0x8f: {  	_ = 	snop  }
0x90: {  	s2 =	sld [smem:$0x3FD0];
	_ =	sdelay $0x2  }
0x91: {  	s15 =	simm.s32 $0xA;
	s4 =	simm.s32 $0x10  }
0x92: {  	[smem:s4], [sflag:s15] =	dma.local [hbm:s2], $0x1  }
0x93: {  	_ =	swait.eq [sflag:s15], $0x1  }
0x94: {  	[sflag:s15] =	ssyncset.done $0x0  }
0x95: {  	[sflag:s15] =	ssyncadd.s32 $0xFFFFFFFF  }
0x96: {  	s16 =	sld [smem:$0x10];
	(tm) =	ssettm $0x1  }
0x97: {  	s17 =	sld [smem:$0x3FFB];
	_ =	sdelay $0x3  }
0x98: {  	_ =	strace s17  }
0x99: {  	s3 =	sld [smem:$0x3FFC];
	_ =	sdelay $0x3  }
0x9a: {  	_ =	strace s3  }
0x9b: {  	s3 =	sld [smem:$0x3FFD];
	_ =	sdelay $0x3  }
0x9c: {  	_ =	strace s3  }
0x9d: {  	_ =	strace $0x8FFFFFFF  }
0x9e: {  	s18 =	sld [smem:$0x3FDB];
	_ =	sdelay $0x1  }
0x9f: {  	s19 =	simm.s32 $_scs_section_size  }
0xa0: {  	s5 =	simm.s32 $_size__tile_overlayer_lowered;
	s6 =	simm.s32 $_tile_overlayer_lowered  }
0xa1: {  	s22 =	simm.s32 $0x1BFF;
	s21 =	sshll.u32 s6, $0x1;
	s3 =	sadd.s32 s19, s18  }
0xa2: {  	s7 =	simm.s32 $0x0;
	s20 =	sshll.u32 s5, $0x1;
	s5 =	sadd.s32 s21, s3  }
0xa3: {  	[timem:s7], [sflag:s22] =	dma.local [hbm:s5], s20  }
0xa4: {  	_ =	swait.ge [sflag:s22], s20  }
0xa5: {  	s4 =	ssub.s32 $0x0, s20;
	[sflag:s22] =	ssyncset.done $0x0  }
0xa6: {  	[sflag:s22] =	ssyncadd.s32 s4;
	_ =	sdelay $0x1  }
0xa7: {  	s23 =	simm.s32 $0x1B8B  }
0xa8: {  	_ =	swait.ge [sflag:s23], $0x1  }
0xa9: {  	[sflag:s23] =	ssyncset.done $0x0  }
0xaa: {  	s25 =	simm.s32 $0x1B8E;
	s24 =	sld [smem:$0x3FFE];
	[sflag:s23] =	ssyncadd.s32 $0xFFFFFFFF  }
0xab: {  	s26 =	simm.s32 $execute0_lowered;
	[smem:$0x3FD2] =	sst s25  }
0xac: {  	s5 =	sshll.u32 s26, $0x1;
	_ =	strace $0x80000046;
	[dreg:$0x1] =	wrdreg $0xFFFFFFFF  }
0xad: {  	s28 =	simm.s32 $_size_execute0_lowered;
	s3 =	sadd.s32 s3, s5;
	[dreg:$0x0] =	wrdreg $0x0  }
0xae: {  	s5 =	sshll.u32 s28, $0x1;
	[dreg:$0x2] =	wrdreg s3  }
0xaf: {  	[dreg:$0x3] =	wrdreg s5  }
0xb0: {  	[dreg:$0x4] =	wrdreg $0xC0  }
0xb1: {  	_ =	task [dreg:s7], $0x5FFFF  }
0xb2: {  	[dreg:$0x1] =	wrdreg $0xFFFFFFFF  }
0xb3: {  	[dreg:$0x0] =	wrdreg $0x60  }
0xb4: {  	[dreg:$0x2] =	wrdreg s24  }
0xb5: {  	[dreg:$0x3] =	wrdreg s16  }
0xb6: {  	[dreg:$0x4] =	wrdreg $0x9  }
0xb7: {  	_ =	task.clear_ibuf [dreg:s7], $0x5FFFF;
	_ =	strace $0x90000046  }
0xb8: {  	s29 =	simm.s32 $0x9;
	_ =	strace $0x80000048  }
0xb9: {  	_ =	swait.ge [sflag:s29], $0x1  }
0xba: {  	[sflag:s29] =	ssyncadd.s32 $0xFFFFFFFF  }
0xbb: {  	_ =	strace $0x90000048  }
0xbc: {  	_ =	sfence  }
0xbd: {  	s30 =	sld [smem:$0x0];
	_ =	sdelay $0x2  }
0xbe: {  	s31 =	sshll.u32 s1, $0xD;
	s1 =	sshrl.u32 s1, $0x2  }
0xbf: {  	s3 =	sand.u32 $0x4000, s31;
	s1 =	sadd.s32 s1, s30  }
0xc0: {  	s0 =	sor.u32 s3, s0;
	s1 =	sshll.u32 s1, $0x11  }
0xc1: {  	s0 =	sor.u32 s1, s0  }
0xc2: {  	s0 =	sadd.s32 $0x8F2B, s0  }
0xc3: {  	[sflag:s0] =	ssyncadd.remote.s32 $0x1  }
0xc4: {  	_ =	sfence.sel $0xFFFF  }
0xc5: {  	[dreg:$0x0] =	wrdreg $0xFFFFFFFF;
	(pc) =	sbr.abs _section_cstart, $3  }
0xc6: {  	[dreg:$0x1] =	wrdreg $0xFFFFFFFF  }
0xc7: {  	_ =	task.clear_ibuf [dreg:s7], $0x2FFFF;
	_ =	strace $0x9FFFFFFF  }
0xc8: {  	(tm) =	ssettm $0x7FFFFFFF  }
0xc9: {  	_ =	shalt  }
tec
execute0_lowered:
.L_overlay_start_1:
0x0: {  	(tag) =	ssettag $0x1  }
0x1: {  	v0 =	vlaneseq.u32  }
0x2: {  	v1 =	vimm.f32 $0.0e+00;
	v9 =	vimm.s32 $0xBA98FEDC;
	v10 =	vimm.s32 $0x76543210  }
0x3: {  	v11 =	vimm.s32 $0xFEDCBA98;
	v14 =	vimm.s32 $0xDCFE98BA;
	v15 =	vimm.s32 $0x54761032  }
0x4: {  	v16 =	vimm.s32 $0xEFCDAB89;
	v17 =	vimm.s32 $0x67452301;
	v2 =	vor.u32 $0x400, v0  }
0x5: {  	s3 =	rddreg [dreg:$0x0];
	v3 =	vor.u32 $0x800, v0;
	v4 =	vor.u32 $0xC00, v0;
	v12 =	vunpack.c.l.s4.s8 v9  }
0x6: {  	s4 =	rddreg [dreg:$0x1];
	v13 =	vunpack.c.l.s4.s8 v10;
	v10 =	vunpack.c.l.s4.s8 v11;
	v14 =	vunpack.c.l.s4.s8 v14  }
0x7: {  	s2 =	srdreg.scid;
	s0 =	stileid.u32;
	v15 =	vunpack.c.l.s4.s8 v15;
	v11 =	vunpack.c.0.s8.s32 v12;
	v12 =	vimm.s32 $0x32107654  }
0x8: {  	s1 =	rddreg [dreg:$0x2];
	s9 =	simm.s32 $0x4000;
	s10 =	simm.s32 $0x8000;
	v5 =	vor.u32 $0x1000, v0;
	v6 =	vor.u32 $0x1400, v0;
	v12 =	vunpack.c.l.s4.s8 v12  }
0x9: {  	s11 =	simm.s32 $0x8100;
	s12 =	simm.s32 $0x2;
	s13 =	simm.s32 $0x0;
	v7 =	vor.u32 $0x1800, v0;
	v14 =	vunpack.c.0.s8.s32 v14;
	v15 =	vunpack.c.0.s8.s32 v15  }
0xa: {  	s5 =	sand.u32 $0x1, s2;
	s30 =	sshll.u32 s0, $0x5;
	s6 =	sshll.u32 s0, $0xC;
	v16 =	vunpack.c.l.s4.s8 v16;
	v17 =	vunpack.c.l.s4.s8 v17;
	v12 =	vunpack.c.0.s8.s32 v12  }
0xb: {  	v8 =	vor.u32 $0x1C00, v0;
	s2 =	simm.s32 $0x0;
	s7 =	sshll.u32 s5, $0x4;
	s8 =	sand.u32 $0x60, s30;
	v18 =	vunpack.c.0.s8.s32 v10;
	v14 =	vcombine.low v15, v14  }
0xc: {  	s6 =	sand.u32 $0xC000, s6;
	[smem:$0x7FF] =	sst s2;
	s5 =	ssub.s32 $0x2, s5;
	v19 =	vcombine.low v12, v11;
	v12 =	vunpack.c.0.s8.s32 v16;
	v16 =	vunpack.c.0.s8.s32 v17  }
0xd: {  	v9 =	vor.u32 $0x2000, v0;
	s7 =	sor.u32 s7, s8;
	_ =	strace $0x80000047;
	s31 =	sshrl.u32 s5, $0x1;
	v10 =	vor.u32 $0x2400, v0;
	v13 =	vunpack.c.0.s8.s32 v13  }
0xe: {  	s8 =	simm.s32 $0x1;
	s6 =	sor.u32 s6, s7;
	s5 =	ssub.s32 s5, s31;
	v15 =	vand.u32 $0xF, v18;
	v14 =	vand.u32 $0xF, v14;
	v16 =	vcombine.low v16, v12  }
0xf: {  	s7 =	simm.s32 $0x400;
	s3 =	sadd.s32 s6, s3;
	s4 =	sadd.s32 s4, s6;
	v11 =	vor.u32 $0x2800, v0;
	v17 =	vimm.s32 $0x0;
	v12 =	vcombine.low v15, v13  }
0x10: {  	s5 =	smax.u32 s5, $0x1;
	s6 =	simm.s32 $0x80;
	s3 =	sadd.s32 $0xE00, s3;
	v13 =	vand.u32 $0xF, v19;
	v15 =	vand.u32 $0xF, v16;
	v16 =	vimm.f32 $-1.000000000e+00  }
.LBB2_1:
0x11: {  	[tilespmem:s2], [sflag:$0x1] =	stream.strided.gather [hbm4b:s3+s6], $0x4000, s7, s6, $0x38;
	[tilespmem:$0x8200] =	vst v63  }
0x12: {  	s14 =	simm.s32 $0x40;
	s15 =	simm.s32 $0x0  }
.LBB2_2:
0x13: {  	p0 =	sne.s32 s14, $0xFFC0;
	[tilespmem:s15+$0x4000] =	vst v1;
	s15 =	smov.u32 s14;
	s14 =	sadd.s32 $0x40, s14  }
.Ltmp0:
0x14: {  	(pc) =	sbr.rel @p0 .LBB2_2-.Ltmp0, $2  }
0x15: {  	_ =	sdelay $0x2  }
0x16: {  	s15 =	sshra.s32 s15, $0x2  }
0x17: {  	[tilespmem:s15+$0x4000] =	vst v1  }
0x18: {  	_ =	swait.ge [sflag:s8], $0x4000  }
0x19: {  	[sflag:s8] =	ssyncset.done $0x0  }
0x1a: {  	[sflag:s8] =	ssyncadd.s32 $0xFFFFC000  }
0x1b: {  	s31 =	simm.s32 $0x10;
	v19 =	vld [tilespmem:$0x0]  }
0x1c: {  	v20 =	vld [tilespmem:s31+$0x0];
	_ =	sdelay $0x4  }
0x1d: {  	v18 =	vlaneseq.u32;
	s14 =	simm.s32 $0x20;
	s15 =	simm.s32 $0x20;
	v21 =	vor.u32 s31, v0;
	vm0 =	vgt.f32 v20, v19  }
.LBB2_4:
0x1e: {  	p0 =	sne.s32 s14, $0x3F0;
	v19 =	vsel vm0, v20, v19;
	v20 =	vld [tilespmem:s15+$0x0];
	v18 =	vsel vm0, v21, v18;
	s16 =	smov.u32 s14;
	s14 =	sadd.s32 $0x10, s14  }
.Ltmp1:
0x1f: {  	(pc) =	sbr.rel @p0 .LBB2_4-.Ltmp1, $2  }
0x20: {  	_ =	sdelay $0x2  }
0x21: {  	s15 =	sadd.s32 $0x10, s15;
	v21 =	vor.u32 s16, v0;
	vm0 =	vgt.f32 v20, v19  }
0x22: {  	v19 =	vsel vm0, v20, v19;
	s14 =	simm.s32 $0x10;
	s15 =	simm.s32 $0x410  }
0x23: {  	v18 =	vsel vm0, v21, v18;
	[tilespmem:$0x8000] =	vst v19;
	s16 =	sand.u32 $0x780, s15;
	s14 =	sand.u32 $0x70, s14  }
0x24: {  	[tilespmem:$0x8100] =	vst v18;
	v18 =	vld [tilespmem:$0x400];
	s16 =	sor.u32 s14, s16  }
0x25: {  	v20 =	vmov v2;
	v19 =	vor.u32 s15, v0;
	s14 =	simm.s32 $0x20;
	v21 =	vld [tilespmem:s16+$0x0]  }
.LBB2_6:
0x26: {  	p0 =	sne.s32 s14, $0x3F0  }
.Ltmp2:
0x27: {  	_ = 	snop;
	(pc) =	sbr.rel @p0 .LBB2_6-.Ltmp2, $4  }
0x28: {  	s15 =	sadd.s32 $0x400, s14;
	s16 =	smov.u32 s14  }
0x29: {  	s17 =	sand.u32 $0x780, s15;
	s16 =	sand.u32 $0x70, s16  }
0x2a: {  	v22 =	vor.u32 s15, v0;
	s31 =	sor.u32 s16, s17;
	vm0 =	vgt.f32 v21, v18  }
0x2b: {  	s14 =	sadd.s32 $0x10, s14;
	v18 =	vsel vm0, v21, v18;
	v21 =	vld [tilespmem:s31+$0x0];
	v20 =	vsel vm0, v19, v20;
	v19 =	vmov v22  }
0x2c: {  	_ =	sdelay $0x3  }
0x2d: {  	vm0 =	vgt.f32 v21, v18  }
0x2e: {  	s14 =	simm.s32 $0x810;
	s15 =	simm.s32 $0x10;
	v18 =	vsel vm0, v21, v18;
	v19 =	vsel vm0, v19, v20  }
0x2f: {  	s16 =	sand.u32 $0xB80, s14;
	s15 =	sand.u32 $0x70, s15;
	[tilespmem:$0x8010] =	vst v18  }
0x30: {  	s16 =	sor.u32 s15, s16;
	[tilespmem:$0x8110] =	vst v19;
	v18 =	vld [tilespmem:$0x800]  }
0x31: {  	s15 =	simm.s32 $0x820;
	v20 =	vld [tilespmem:s16+$0x0];
	v19 =	vmov v3  }
.LBB2_8:
0x32: {  	p0 =	sne.s32 s15, $0xBF0  }
.Ltmp3:
0x33: {  	_ = 	snop;
	(pc) =	sbr.rel @p0 .LBB2_8-.Ltmp3, $4  }
0x34: {  	s16 =	sadd.s32 $0xFFFFF800, s15;
	s17 =	smov.u32 s15  }
0x35: {  	s18 =	sand.u32 $0xB80, s17;
	s16 =	sand.u32 $0x70, s16  }
0x36: {  	v21 =	vor.u32 s14, v0;
	s16 =	sor.u32 s16, s18;
	vm0 =	vgt.f32 v20, v18  }
0x37: {  	s15 =	sadd.s32 $0x10, s15;
	s14 =	smov.u32 s17;
	v18 =	vsel vm0, v20, v18;
	v20 =	vld [tilespmem:s16+$0x0];
	v19 =	vsel vm0, v21, v19  }
0x38: {  	_ =	sdelay $0x3  }
0x39: {  	v21 =	vor.u32 s14, v0;
	vm0 =	vgt.f32 v20, v18  }
0x3a: {  	s14 =	simm.s32 $0xC10;
	s15 =	simm.s32 $0x10;
	v18 =	vsel vm0, v20, v18;
	v19 =	vsel vm0, v21, v19  }
0x3b: {  	s16 =	sand.u32 $0xF80, s14;
	s15 =	sand.u32 $0x70, s15;
	[tilespmem:$0x8020] =	vst v18  }
0x3c: {  	s16 =	sor.u32 s15, s16;
	[tilespmem:$0x8120] =	vst v19;
	v18 =	vld [tilespmem:$0xC00]  }
0x3d: {  	s15 =	simm.s32 $0xC20;
	v20 =	vld [tilespmem:s16+$0x0];
	v19 =	vmov v4  }
.LBB2_10:
0x3e: {  	p0 =	sne.s32 s15, $0xFF0  }
.Ltmp4:
0x3f: {  	_ = 	snop;
	(pc) =	sbr.rel @p0 .LBB2_10-.Ltmp4, $4  }
0x40: {  	s16 =	sadd.s32 $0xFFFFF400, s15;
	s17 =	smov.u32 s15  }
0x41: {  	s18 =	sand.u32 $0xF80, s17;
	s16 =	sand.u32 $0x70, s16  }
0x42: {  	v21 =	vor.u32 s14, v0;
	s16 =	sor.u32 s16, s18;
	vm0 =	vgt.f32 v20, v18  }
0x43: {  	s15 =	sadd.s32 $0x10, s15;
	s14 =	smov.u32 s17;
	v18 =	vsel vm0, v20, v18;
	v20 =	vld [tilespmem:s16+$0x0];
	v19 =	vsel vm0, v21, v19  }
0x44: {  	_ =	sdelay $0x3  }
0x45: {  	v21 =	vor.u32 s14, v0;
	vm0 =	vgt.f32 v20, v18  }
0x46: {  	s14 =	simm.s32 $0x1010;
	s15 =	simm.s32 $0x10;
	v18 =	vsel vm0, v20, v18;
	v19 =	vsel vm0, v21, v19  }
0x47: {  	s16 =	sand.u32 $0x1380, s14;
	s15 =	sand.u32 $0x70, s15;
	[tilespmem:$0x8030] =	vst v18  }
0x48: {  	s16 =	sor.u32 s15, s16;
	[tilespmem:$0x8130] =	vst v19;
	v18 =	vld [tilespmem:$0x1000]  }
0x49: {  	s15 =	simm.s32 $0x1020;
	v20 =	vld [tilespmem:s16+$0x0];
	v19 =	vmov v5  }
.LBB2_12:
0x4a: {  	p0 =	sne.s32 s15, $0x13F0  }
.Ltmp5:
0x4b: {  	_ = 	snop;
	(pc) =	sbr.rel @p0 .LBB2_12-.Ltmp5, $4  }
0x4c: {  	s16 =	sadd.s32 $0xFFFFF000, s15;
	s17 =	smov.u32 s15  }
0x4d: {  	s18 =	sand.u32 $0x1380, s17;
	s16 =	sand.u32 $0x70, s16  }
0x4e: {  	v21 =	vor.u32 s14, v0;
	s16 =	sor.u32 s16, s18;
	vm0 =	vgt.f32 v20, v18  }
0x4f: {  	s15 =	sadd.s32 $0x10, s15;
	s14 =	smov.u32 s17;
	v18 =	vsel vm0, v20, v18;
	v20 =	vld [tilespmem:s16+$0x0];
	v19 =	vsel vm0, v21, v19  }
0x50: {  	_ =	sdelay $0x3  }
0x51: {  	v21 =	vor.u32 s14, v0;
	vm0 =	vgt.f32 v20, v18  }
0x52: {  	s14 =	simm.s32 $0x1410;
	s15 =	simm.s32 $0x10;
	v18 =	vsel vm0, v20, v18;
	v19 =	vsel vm0, v21, v19  }
0x53: {  	s16 =	sand.u32 $0x1780, s14;
	s15 =	sand.u32 $0x70, s15;
	[tilespmem:$0x8040] =	vst v18  }
0x54: {  	s16 =	sor.u32 s15, s16;
	[tilespmem:$0x8140] =	vst v19;
	v18 =	vld [tilespmem:$0x1400]  }
0x55: {  	s15 =	simm.s32 $0x1420;
	v20 =	vld [tilespmem:s16+$0x0];
	v19 =	vmov v6  }
.LBB2_14:
0x56: {  	p0 =	sne.s32 s15, $0x17F0  }
.Ltmp6:
0x57: {  	_ = 	snop;
	(pc) =	sbr.rel @p0 .LBB2_14-.Ltmp6, $4  }
0x58: {  	s16 =	sadd.s32 $0xFFFFEC00, s15;
	s17 =	smov.u32 s15  }
0x59: {  	s18 =	sand.u32 $0x1780, s17;
	s16 =	sand.u32 $0x70, s16  }
0x5a: {  	v21 =	vor.u32 s14, v0;
	s16 =	sor.u32 s16, s18;
	vm0 =	vgt.f32 v20, v18  }
0x5b: {  	s15 =	sadd.s32 $0x10, s15;
	s14 =	smov.u32 s17;
	v18 =	vsel vm0, v20, v18;
	v20 =	vld [tilespmem:s16+$0x0];
	v19 =	vsel vm0, v21, v19  }
0x5c: {  	_ =	sdelay $0x3  }
0x5d: {  	v21 =	vor.u32 s14, v0;
	vm0 =	vgt.f32 v20, v18  }
0x5e: {  	s14 =	simm.s32 $0x1810;
	s15 =	simm.s32 $0x10;
	v18 =	vsel vm0, v20, v18;
	v19 =	vsel vm0, v21, v19  }
0x5f: {  	s16 =	sand.u32 $0x1B80, s14;
	s15 =	sand.u32 $0x70, s15;
	[tilespmem:$0x8050] =	vst v18  }
0x60: {  	s16 =	sor.u32 s15, s16;
	[tilespmem:$0x8150] =	vst v19;
	v18 =	vld [tilespmem:$0x1800]  }
0x61: {  	s15 =	simm.s32 $0x1820;
	v20 =	vld [tilespmem:s16+$0x0];
	v19 =	vmov v7  }
.LBB2_16:
0x62: {  	p0 =	sne.s32 s15, $0x1BF0  }
.Ltmp7:
0x63: {  	_ = 	snop;
	(pc) =	sbr.rel @p0 .LBB2_16-.Ltmp7, $4  }
0x64: {  	s16 =	sadd.s32 $0xFFFFE800, s15;
	s17 =	smov.u32 s15  }
0x65: {  	s18 =	sand.u32 $0x1B80, s17;
	s16 =	sand.u32 $0x70, s16  }
0x66: {  	v21 =	vor.u32 s14, v0;
	s16 =	sor.u32 s16, s18;
	vm0 =	vgt.f32 v20, v18  }
0x67: {  	s15 =	sadd.s32 $0x10, s15;
	s14 =	smov.u32 s17;
	v18 =	vsel vm0, v20, v18;
	v20 =	vld [tilespmem:s16+$0x0];
	v19 =	vsel vm0, v21, v19  }
0x68: {  	_ =	sdelay $0x3  }
0x69: {  	v21 =	vor.u32 s14, v0;
	vm0 =	vgt.f32 v20, v18  }
0x6a: {  	s14 =	simm.s32 $0x1C10;
	s15 =	simm.s32 $0x10;
	v18 =	vsel vm0, v20, v18;
	v19 =	vsel vm0, v21, v19  }
0x6b: {  	s16 =	sand.u32 $0x1F80, s14;
	s15 =	sand.u32 $0x70, s15;
	[tilespmem:$0x8060] =	vst v18  }
0x6c: {  	s16 =	sor.u32 s15, s16;
	[tilespmem:$0x8160] =	vst v19;
	v18 =	vld [tilespmem:$0x1C00]  }
0x6d: {  	s15 =	simm.s32 $0x1C20;
	v20 =	vld [tilespmem:s16+$0x0];
	v19 =	vmov v8  }
.LBB2_18:
0x6e: {  	p0 =	sne.s32 s15, $0x1FF0  }
.Ltmp8:
0x6f: {  	_ = 	snop;
	(pc) =	sbr.rel @p0 .LBB2_18-.Ltmp8, $4  }
0x70: {  	s16 =	sadd.s32 $0xFFFFE400, s15;
	s17 =	smov.u32 s15  }
0x71: {  	s18 =	sand.u32 $0x1F80, s17;
	s16 =	sand.u32 $0x70, s16  }
0x72: {  	v21 =	vor.u32 s14, v0;
	s16 =	sor.u32 s16, s18;
	vm0 =	vgt.f32 v20, v18  }
0x73: {  	s15 =	sadd.s32 $0x10, s15;
	s14 =	smov.u32 s17;
	v18 =	vsel vm0, v20, v18;
	v20 =	vld [tilespmem:s16+$0x0];
	v19 =	vsel vm0, v21, v19  }
0x74: {  	_ =	sdelay $0x3  }
0x75: {  	v21 =	vor.u32 s14, v0;
	vm0 =	vgt.f32 v20, v18  }
0x76: {  	s14 =	simm.s32 $0x2010;
	s15 =	simm.s32 $0x10;
	v18 =	vsel vm0, v20, v18;
	v19 =	vsel vm0, v21, v19  }
0x77: {  	s16 =	sand.u32 $0x2380, s14;
	s15 =	sand.u32 $0x70, s15;
	[tilespmem:$0x8070] =	vst v18  }
0x78: {  	s16 =	sor.u32 s15, s16;
	[tilespmem:$0x8170] =	vst v19;
	v18 =	vld [tilespmem:$0x2000]  }
0x79: {  	s15 =	simm.s32 $0x2020;
	v20 =	vld [tilespmem:s16+$0x0];
	v19 =	vmov v9  }
.LBB2_20:
0x7a: {  	p0 =	sne.s32 s15, $0x23F0  }
.Ltmp9:
0x7b: {  	_ = 	snop;
	(pc) =	sbr.rel @p0 .LBB2_20-.Ltmp9, $4  }
0x7c: {  	s16 =	sadd.s32 $0xFFFFE000, s15;
	s17 =	smov.u32 s15  }
0x7d: {  	s18 =	sand.u32 $0x2380, s17;
	s16 =	sand.u32 $0x70, s16  }
0x7e: {  	v21 =	vor.u32 s14, v0;
	s16 =	sor.u32 s16, s18;
	vm0 =	vgt.f32 v20, v18  }
0x7f: {  	s15 =	sadd.s32 $0x10, s15;
	s14 =	smov.u32 s17;
	v18 =	vsel vm0, v20, v18;
	v20 =	vld [tilespmem:s16+$0x0];
	v19 =	vsel vm0, v21, v19  }
0x80: {  	_ =	sdelay $0x3  }
0x81: {  	v21 =	vor.u32 s14, v0;
	vm0 =	vgt.f32 v20, v18  }
0x82: {  	s14 =	simm.s32 $0x2410;
	s15 =	simm.s32 $0x10;
	v18 =	vsel vm0, v20, v18;
	v19 =	vsel vm0, v21, v19  }
0x83: {  	s16 =	sand.u32 $0x2780, s14;
	s15 =	sand.u32 $0x70, s15;
	[tilespmem:$0x8080] =	vst v18  }
0x84: {  	s16 =	sor.u32 s15, s16;
	[tilespmem:$0x8180] =	vst v19;
	v18 =	vld [tilespmem:$0x2400]  }
0x85: {  	s15 =	simm.s32 $0x2420;
	v20 =	vld [tilespmem:s16+$0x0];
	v19 =	vmov v10  }
.LBB2_22:
0x86: {  	p0 =	sne.s32 s15, $0x27F0  }
.Ltmp10:
0x87: {  	_ = 	snop;
	(pc) =	sbr.rel @p0 .LBB2_22-.Ltmp10, $4  }
0x88: {  	s16 =	sadd.s32 $0xFFFFDC00, s15;
	s17 =	smov.u32 s15  }
0x89: {  	s18 =	sand.u32 $0x2780, s17;
	s16 =	sand.u32 $0x70, s16  }
0x8a: {  	v21 =	vor.u32 s14, v0;
	s16 =	sor.u32 s16, s18;
	vm0 =	vgt.f32 v20, v18  }
0x8b: {  	s15 =	sadd.s32 $0x10, s15;
	s14 =	smov.u32 s17;
	v18 =	vsel vm0, v20, v18;
	v20 =	vld [tilespmem:s16+$0x0];
	v19 =	vsel vm0, v21, v19  }
0x8c: {  	_ =	sdelay $0x3  }
0x8d: {  	v21 =	vor.u32 s14, v0;
	vm0 =	vgt.f32 v20, v18  }
0x8e: {  	s14 =	simm.s32 $0x2810;
	s15 =	simm.s32 $0x10;
	v18 =	vsel vm0, v20, v18;
	v19 =	vsel vm0, v21, v19  }
0x8f: {  	s16 =	sand.u32 $0x2B80, s14;
	s15 =	sand.u32 $0x70, s15;
	[tilespmem:$0x8090] =	vst v18  }
0x90: {  	s16 =	sor.u32 s15, s16;
	[tilespmem:$0x8190] =	vst v19;
	v18 =	vld [tilespmem:$0x2800]  }
0x91: {  	s15 =	simm.s32 $0x2820;
	v20 =	vld [tilespmem:s16+$0x0];
	v19 =	vmov v11  }
.LBB2_24:
0x92: {  	p0 =	sne.s32 s15, $0x2BF0  }
.Ltmp11:
0x93: {  	_ = 	snop;
	(pc) =	sbr.rel @p0 .LBB2_24-.Ltmp11, $4  }
0x94: {  	s16 =	sadd.s32 $0xFFFFD800, s15;
	s17 =	smov.u32 s15  }
0x95: {  	s18 =	sand.u32 $0x2B80, s17;
	s16 =	sand.u32 $0x70, s16  }
0x96: {  	v21 =	vor.u32 s14, v0;
	s16 =	sor.u32 s16, s18;
	vm0 =	vgt.f32 v20, v18  }
0x97: {  	s15 =	sadd.s32 $0x10, s15;
	s14 =	smov.u32 s17;
	v18 =	vsel vm0, v20, v18;
	v20 =	vld [tilespmem:s16+$0x0];
	v19 =	vsel vm0, v21, v19  }
0x98: {  	_ =	sdelay $0x3  }
0x99: {  	vm0 =	vgt.f32 v20, v18  }
0x9a: {  	v21 =	vor.u32 s14, v0;
	s14 =	simm.s32 $0x2C10;
	s15 =	simm.s32 $0x10;
	v18 =	vsel vm0, v20, v18  }
0x9b: {  	s16 =	sand.u32 $0x2F80, s14;
	s15 =	sand.u32 $0x70, s15;
	v19 =	vsel vm0, v21, v19;
	[tilespmem:$0x80A0] =	vst v18  }
0x9c: {  	s16 =	sor.u32 s15, s16;
	[tilespmem:$0x81A0] =	vst v19;
	v19 =	vld [tilespmem:$0x2C00]  }
0x9d: {  	s15 =	simm.s32 $0x2C20;
	v18 =	vor.u32 $0x2C00, v0;
	v20 =	vld [tilespmem:s16+$0x0]  }
.LBB2_26:
0x9e: {  	p0 =	sne.s32 s15, $0x2FF0  }
.Ltmp12:
0x9f: {  	_ = 	snop;
	(pc) =	sbr.rel @p0 .LBB2_26-.Ltmp12, $4  }
0xa0: {  	s16 =	sadd.s32 $0xFFFFD400, s15;
	s17 =	smov.u32 s15  }
0xa1: {  	s18 =	sand.u32 $0x2F80, s17;
	s16 =	sand.u32 $0x70, s16  }
0xa2: {  	v21 =	vor.u32 s14, v0;
	s16 =	sor.u32 s16, s18;
	vm0 =	vgt.f32 v20, v19  }
0xa3: {  	s15 =	sadd.s32 $0x10, s15;
	s14 =	smov.u32 s17;
	v19 =	vsel vm0, v20, v19;
	v20 =	vld [tilespmem:s16+$0x0];
	v18 =	vsel vm0, v21, v18  }
0xa4: {  	_ =	sdelay $0x3  }
0xa5: {  	vm0 =	vgt.f32 v20, v19  }
0xa6: {  	v21 =	vor.u32 s14, v0;
	s14 =	simm.s32 $0x3010;
	s15 =	simm.s32 $0x10;
	v19 =	vsel vm0, v20, v19  }
0xa7: {  	s16 =	sand.u32 $0x3380, s14;
	s15 =	sand.u32 $0x70, s15;
	v18 =	vsel vm0, v21, v18;
	[tilespmem:$0x80B0] =	vst v19  }
0xa8: {  	s16 =	sor.u32 s15, s16;
	[tilespmem:$0x81B0] =	vst v18;
	v19 =	vld [tilespmem:$0x3000]  }
0xa9: {  	s15 =	simm.s32 $0x3020;
	v18 =	vor.u32 $0x3000, v0;
	v20 =	vld [tilespmem:s16+$0x0]  }
.LBB2_28:
0xaa: {  	p0 =	sne.s32 s15, $0x33F0  }
.Ltmp13:
0xab: {  	_ = 	snop;
	(pc) =	sbr.rel @p0 .LBB2_28-.Ltmp13, $4  }
0xac: {  	s16 =	sadd.s32 $0xFFFFD000, s15;
	s17 =	smov.u32 s15  }
0xad: {  	s18 =	sand.u32 $0x3380, s17;
	s16 =	sand.u32 $0x70, s16  }
0xae: {  	v21 =	vor.u32 s14, v0;
	s16 =	sor.u32 s16, s18;
	vm0 =	vgt.f32 v20, v19  }
0xaf: {  	s15 =	sadd.s32 $0x10, s15;
	s14 =	smov.u32 s17;
	v19 =	vsel vm0, v20, v19;
	v20 =	vld [tilespmem:s16+$0x0];
	v18 =	vsel vm0, v21, v18  }
0xb0: {  	_ =	sdelay $0x3  }
0xb1: {  	vm0 =	vgt.f32 v20, v19  }
0xb2: {  	v21 =	vor.u32 s14, v0;
	s14 =	simm.s32 $0x3410;
	s15 =	simm.s32 $0x10;
	v19 =	vsel vm0, v20, v19  }
0xb3: {  	s16 =	sand.u32 $0x3780, s14;
	s15 =	sand.u32 $0x70, s15;
	v18 =	vsel vm0, v21, v18;
	[tilespmem:$0x80C0] =	vst v19  }
0xb4: {  	s16 =	sor.u32 s15, s16;
	[tilespmem:$0x81C0] =	vst v18;
	v19 =	vld [tilespmem:$0x3400]  }
0xb5: {  	s15 =	simm.s32 $0x3420;
	v18 =	vor.u32 $0x3400, v0;
	v20 =	vld [tilespmem:s16+$0x0]  }
.LBB2_30:
0xb6: {  	p0 =	sne.s32 s15, $0x37F0  }
.Ltmp14:
0xb7: {  	_ = 	snop;
	(pc) =	sbr.rel @p0 .LBB2_30-.Ltmp14, $4  }
0xb8: {  	s16 =	sadd.s32 $0xFFFFCC00, s15;
	s17 =	smov.u32 s15  }
0xb9: {  	s18 =	sand.u32 $0x3780, s17;
	s16 =	sand.u32 $0x70, s16  }
0xba: {  	v21 =	vor.u32 s14, v0;
	s16 =	sor.u32 s16, s18;
	vm0 =	vgt.f32 v20, v19  }
0xbb: {  	s15 =	sadd.s32 $0x10, s15;
	s14 =	smov.u32 s17;
	v19 =	vsel vm0, v20, v19;
	v20 =	vld [tilespmem:s16+$0x0];
	v18 =	vsel vm0, v21, v18  }
0xbc: {  	_ =	sdelay $0x3  }
0xbd: {  	vm0 =	vgt.f32 v20, v19  }
0xbe: {  	v21 =	vor.u32 s14, v0;
	s14 =	simm.s32 $0x3810;
	s15 =	simm.s32 $0x10;
	v19 =	vsel vm0, v20, v19  }
0xbf: {  	s16 =	sand.u32 $0x3B80, s14;
	s15 =	sand.u32 $0x70, s15;
	v18 =	vsel vm0, v21, v18;
	[tilespmem:$0x80D0] =	vst v19  }
0xc0: {  	s16 =	sor.u32 s15, s16;
	[tilespmem:$0x81D0] =	vst v18;
	v19 =	vld [tilespmem:$0x3800]  }
0xc1: {  	s15 =	simm.s32 $0x3820;
	v18 =	vor.u32 $0x3800, v0;
	v20 =	vld [tilespmem:s16+$0x0]  }
.LBB2_32:
0xc2: {  	p0 =	sne.s32 s15, $0x3BF0  }
.Ltmp15:
0xc3: {  	_ = 	snop;
	(pc) =	sbr.rel @p0 .LBB2_32-.Ltmp15, $4  }
0xc4: {  	s16 =	sadd.s32 $0xFFFFC800, s15;
	s17 =	smov.u32 s15  }
0xc5: {  	s18 =	sand.u32 $0x3B80, s17;
	s16 =	sand.u32 $0x70, s16  }
0xc6: {  	v21 =	vor.u32 s14, v0;
	s16 =	sor.u32 s16, s18;
	vm0 =	vgt.f32 v20, v19  }
0xc7: {  	s15 =	sadd.s32 $0x10, s15;
	s14 =	smov.u32 s17;
	v19 =	vsel vm0, v20, v19;
	v20 =	vld [tilespmem:s16+$0x0];
	v18 =	vsel vm0, v21, v18  }
0xc8: {  	_ =	sdelay $0x3  }
0xc9: {  	vm0 =	vgt.f32 v20, v19  }
0xca: {  	v21 =	vor.u32 s14, v0;
	s14 =	simm.s32 $0x3C10;
	s15 =	simm.s32 $0x10;
	v19 =	vsel vm0, v20, v19  }
0xcb: {  	s16 =	sand.u32 $0x3F80, s14;
	s15 =	sand.u32 $0x70, s15;
	v18 =	vsel vm0, v21, v18;
	[tilespmem:$0x80E0] =	vst v19  }
0xcc: {  	s16 =	sor.u32 s15, s16;
	[tilespmem:$0x81E0] =	vst v18;
	v18 =	vld [tilespmem:$0x3C00]  }
0xcd: {  	s15 =	simm.s32 $0x3C20;
	v20 =	vor.u32 $0x3C00, v0;
	v19 =	vld [tilespmem:s16+$0x0]  }
.LBB2_34:
0xce: {  	p0 =	sne.s32 s15, $0x3FF0  }
.Ltmp16:
0xcf: {  	_ = 	snop;
	(pc) =	sbr.rel @p0 .LBB2_34-.Ltmp16, $4  }
0xd0: {  	s16 =	sadd.s32 $0xFFFFC400, s15;
	s17 =	smov.u32 s15  }
0xd1: {  	s18 =	sand.u32 $0x3F80, s17;
	s16 =	sand.u32 $0x70, s16  }
0xd2: {  	v21 =	vor.u32 s14, v0;
	s16 =	sor.u32 s16, s18;
	vm0 =	vgt.f32 v19, v18  }
0xd3: {  	s15 =	sadd.s32 $0x10, s15;
	s14 =	smov.u32 s17;
	v18 =	vsel vm0, v19, v18;
	v19 =	vld [tilespmem:s16+$0x0];
	v20 =	vsel vm0, v21, v20  }
0xd4: {  	v21 =	vld [tilespmem:$0x8000]  }
0xd5: {  	v22 =	vld [tilespmem:$0x8010]  }
0xd6: {  	v23 =	vld [tilespmem:$0x8110]  }
0xd7: {  	v24 =	vld [tilespmem:$0x8100];
	_ =	sdelay $0x2  }
0xd8: {  	v25 =	vld [tilespmem:$0x8120]  }
0xd9: {  	v26 =	vld [tilespmem:$0x8020]  }
0xda: {  	vm0 =	veq.f32 v22, v21;
	vm1 =	vlt.s32 v23, v24  }
0xdb: {  	vm2 =	vgt.f32 v22, v21;
	vm0 =	vmand vm0, vm1  }
0xdc: {  	v27 =	vld [tilespmem:$0x8130];
	vm0 =	vmor vm2, vm0  }
0xdd: {  	v21 =	vsel vm0, v22, v21;
	v22 =	vsel vm0, v23, v24;
	v23 =	vld [tilespmem:$0x8030]  }
0xde: {  	vm0 =	veq.f32 v26, v21;
	vm1 =	vlt.s32 v25, v22  }
0xdf: {  	vm2 =	vgt.f32 v26, v21;
	vm0 =	vmand vm0, vm1  }
0xe0: {  	v24 =	vld [tilespmem:$0x8140];
	vm0 =	vmor vm2, vm0  }
0xe1: {  	v21 =	vsel vm0, v26, v21;
	v22 =	vsel vm0, v25, v22;
	v25 =	vld [tilespmem:$0x8040]  }
0xe2: {  	vm0 =	veq.f32 v23, v21;
	vm1 =	vlt.s32 v27, v22  }
0xe3: {  	vm2 =	vgt.f32 v23, v21;
	vm0 =	vmand vm0, vm1  }
0xe4: {  	v26 =	vld [tilespmem:$0x8150];
	vm0 =	vmor vm2, vm0  }
0xe5: {  	v21 =	vsel vm0, v23, v21;
	v22 =	vsel vm0, v27, v22;
	v23 =	vld [tilespmem:$0x8050]  }
0xe6: {  	vm0 =	veq.f32 v25, v21;
	vm1 =	vlt.s32 v24, v22  }
0xe7: {  	vm2 =	vgt.f32 v25, v21;
	vm0 =	vmand vm0, vm1  }
0xe8: {  	v27 =	vld [tilespmem:$0x8160];
	vm0 =	vmor vm2, vm0  }
0xe9: {  	v21 =	vsel vm0, v25, v21;
	v22 =	vsel vm0, v24, v22;
	v24 =	vld [tilespmem:$0x8060]  }
0xea: {  	vm0 =	veq.f32 v23, v21;
	vm1 =	vlt.s32 v26, v22  }
0xeb: {  	vm2 =	vgt.f32 v23, v21;
	vm0 =	vmand vm0, vm1  }
0xec: {  	v25 =	vld [tilespmem:$0x8170];
	vm0 =	vmor vm2, vm0  }
0xed: {  	v21 =	vsel vm0, v23, v21;
	v22 =	vsel vm0, v26, v22;
	v23 =	vld [tilespmem:$0x8070]  }
0xee: {  	vm0 =	veq.f32 v24, v21;
	vm1 =	vlt.s32 v27, v22  }
0xef: {  	vm2 =	vgt.f32 v24, v21;
	vm0 =	vmand vm0, vm1  }
0xf0: {  	v26 =	vld [tilespmem:$0x8180];
	vm0 =	vmor vm2, vm0  }
0xf1: {  	v21 =	vsel vm0, v24, v21;
	v22 =	vsel vm0, v27, v22;
	v24 =	vld [tilespmem:$0x8080]  }
0xf2: {  	vm0 =	veq.f32 v23, v21;
	vm1 =	vlt.s32 v25, v22  }
0xf3: {  	vm2 =	vgt.f32 v23, v21;
	vm0 =	vmand vm0, vm1  }
0xf4: {  	v27 =	vld [tilespmem:$0x8190];
	vm0 =	vmor vm2, vm0  }
0xf5: {  	v21 =	vsel vm0, v23, v21;
	v22 =	vsel vm0, v25, v22;
	v23 =	vld [tilespmem:$0x8090]  }
0xf6: {  	vm0 =	veq.f32 v24, v21;
	vm1 =	vlt.s32 v26, v22  }
0xf7: {  	vm2 =	vgt.f32 v24, v21;
	vm0 =	vmand vm0, vm1  }
0xf8: {  	v25 =	vld [tilespmem:$0x81A0];
	vm0 =	vmor vm2, vm0  }
0xf9: {  	v21 =	vsel vm0, v24, v21;
	v22 =	vsel vm0, v26, v22;
	v24 =	vld [tilespmem:$0x80A0]  }
0xfa: {  	vm0 =	veq.f32 v23, v21;
	vm1 =	vlt.s32 v27, v22  }
0xfb: {  	vm2 =	vgt.f32 v23, v21;
	vm0 =	vmand vm0, vm1  }
0xfc: {  	v26 =	vld [tilespmem:$0x81B0];
	vm0 =	vmor vm2, vm0  }
0xfd: {  	v21 =	vsel vm0, v23, v21;
	v22 =	vsel vm0, v27, v22;
	v23 =	vld [tilespmem:$0x80B0]  }
0xfe: {  	vm0 =	veq.f32 v24, v21;
	vm1 =	vlt.s32 v25, v22  }
0xff: {  	vm2 =	vgt.f32 v24, v21;
	vm0 =	vmand vm0, vm1  }
0x100: {  	v27 =	vld [tilespmem:$0x81C0];
	vm0 =	vmor vm2, vm0  }
0x101: {  	v21 =	vsel vm0, v24, v21;
	v22 =	vsel vm0, v25, v22;
	v24 =	vld [tilespmem:$0x80C0]  }
0x102: {  	vm0 =	veq.f32 v23, v21;
	vm1 =	vlt.s32 v26, v22  }
0x103: {  	vm2 =	vgt.f32 v23, v21;
	vm0 =	vmand vm0, vm1  }
0x104: {  	v25 =	vld [tilespmem:$0x81D0];
	vm0 =	vmor vm2, vm0  }
0x105: {  	v21 =	vsel vm0, v23, v21;
	v22 =	vsel vm0, v26, v22;
	v23 =	vld [tilespmem:$0x80D0]  }
0x106: {  	vm0 =	veq.f32 v24, v21;
	vm1 =	vlt.s32 v27, v22  }
0x107: {  	vm2 =	vgt.f32 v24, v21;
	vm0 =	vmand vm0, vm1  }
0x108: {  	v28 =	vor.u32 s14, v0;
	v26 =	vld [tilespmem:$0x81E0];
	vm0 =	vmor vm2, vm0  }
0x109: {  	vm1 =	vgt.f32 v19, v18;
	v21 =	vsel vm0, v24, v21;
	v22 =	vsel vm0, v27, v22;
	v24 =	vld [tilespmem:$0x80E0]  }
0x10a: {  	v20 =	vsel vm1, v28, v20;
	vm0 =	veq.f32 v23, v21;
	vm2 =	vlt.s32 v25, v22  }
0x10b: {  	v18 =	vsel vm1, v19, v18;
	[tilespmem:$0x81F0] =	vst v20;
	vm1 =	vgt.f32 v23, v21;
	vm0 =	vmand vm0, vm2  }
0x10c: {  	[tilespmem:$0x80F0] =	vst v18;
	v18 =	vld [tilespmem:$0x81F0];
	vm0 =	vmor vm1, vm0  }
0x10d: {  	v19 =	vsel vm0, v23, v21;
	v20 =	vsel vm0, v25, v22;
	v21 =	vld [tilespmem:$0x80F0]  }
0x10e: {  	vm0 =	veq.f32 v24, v19;
	vm1 =	vlt.s32 v26, v20  }
0x10f: {  	vm2 =	vgt.f32 v24, v19;
	vm0 =	vmand vm0, vm1  }
0x110: {  	vm0 =	vmor vm2, vm0  }
0x111: {  	v19 =	vsel vm0, v24, v19;
	v20 =	vsel vm0, v26, v20  }
0x112: {  	vm0 =	veq.f32 v21, v19;
	vm1 =	vlt.s32 v18, v20  }
0x113: {  	vm2 =	vgt.f32 v21, v19;
	vm0 =	vmand vm0, vm1  }
0x114: {  	vm0 =	vmor vm2, vm0  }
0x115: {  	v19 =	vsel vm0, v21, v19  }
0x116: {  	v21 =	vperm.xlane v19, v12;
	_ =	sdelay $0x1  }
0x117: {  	v21 =	vmax.f32 v19, v21  }
0x118: {  	v22 =	vperm.xlane v21, v13;
	_ =	sdelay $0x1  }
0x119: {  	v21 =	vmax.f32 v21, v22  }
0x11a: {  	v22 =	vperm.xlane v21, v14;
	_ =	sdelay $0x1  }
0x11b: {  	v21 =	vmax.f32 v21, v22  }
0x11c: {  	v22 =	vperm.xlane v21, v15;
	_ =	sdelay $0x1  }
0x11d: {  	v24 =	vmax.f32 v21, v22  }
0x11e: {  	v18 =	vsel vm0, v18, v20;
	vm0 =	veq.f32 v19, v24  }
0x11f: {  	v18 =	vnsel vm0, $0x40000000, v18  }
0x120: {  	v19 =	vperm.xlane v18, v12;
	_ =	sdelay $0x1  }
0x121: {  	vm0 =	vlt.s32 v18, v19  }
0x122: {  	v18 =	vsel vm0, v18, v19  }
0x123: {  	v19 =	vperm.xlane v18, v13;
	_ =	sdelay $0x1  }
0x124: {  	vm0 =	vlt.s32 v18, v19  }
0x125: {  	v18 =	vsel vm0, v18, v19  }
0x126: {  	v19 =	vperm.xlane v18, v14;
	_ =	sdelay $0x1  }
0x127: {  	vm0 =	vlt.s32 v18, v19  }
0x128: {  	v18 =	vsel vm0, v18, v19  }
0x129: {  	v19 =	vperm.xlane v18, v15;
	_ =	sdelay $0x1  }
0x12a: {  	vm0 =	vlt.s32 v18, v19  }
0x12b: {  	v25 =	vsel vm0, v18, v19  }
0x12c: {  	v18 =	vshra.s32 v25, $0x1F;
	v19 =	vand.u32 $0x3FF, v25  }
0x12d: {  	vm0 =	vlt.s32 v25, $0x1;
	v18 =	vshrl.u32 v18, $0x16;
	vm1 =	vne.s32 v19, $0x0  }
0x12e: {  	v18 =	vadd.s32 v18, v25;
	vm0 =	vmand vm0, vm1  }
0x12f: {  	v18 =	vshra.s32 v18, $0xA;
	v19 =	vsel vm0, $0xFFFFFFFF, v17  }
0x130: {  	v26 =	vadd.s32 v19, v18  }
0x131: {  	v28 =	vand.u32 $0xF, v25;
	v18 =	vmul.u32 $0x10, v0;
	v27 =	vshll.u32 v26, $0xA  }
0x132: {  	v19 =	vshrl.u32 v0, $0x3;
	v29 =	vor.u32 v28, v27  }
0x133: {  	v19 =	vmul.u32 $0x80, v19;
	v20 =	vor.u32 $0x100, v18;
	v30 =	vor.u32 v18, v29  }
0x134: {  	v21 =	vor.u32 $0x200, v18;
	v31 =	vor.u32 v20, v29;
	v22 =	vand.u32 $0x7F, v30  }
0x135: {  	v32 =	vor.u32 v21, v29;
	v23 =	vand.u32 $0x7F, v31;
	v22 =	vor.u32 v22, v27  }
0x136: {  	v23 =	vor.u32 v23, v27;
	v33 =	vor.u32 v19, v22;
	v22 =	vor.u32 $0x100, v19  }
0x137: {  	v34 =	vand.u32 $0x7F, v32;
	v35 =	vor.u32 v22, v23  }
0x138: {  	v34 =	vor.u32 v34, v27;
	v23 =	vor.u32 $0x200, v19  }
0x139: {  	[tilespmem:v25+s9+$0x0] =	vst.idx.msk $0x1, v24;
	v24 =	vor.u32 $0x300, v18;
	v34 =	vor.u32 v23, v34  }
0x13a: {  	[tilespmem:v25+s2+$0x0] =	vst.idx.msk $0x1, v16;
	v29 =	vor.u32 v24, v29  }
0x13b: {  	v25 =	vand.u32 $0x7F, v29;
	v33 =	vld.idx.msk [tilespmem:v33+s2+$0x0], $0xffff  }
0x13c: {  	v27 =	vor.u32 v25, v27;
	v25 =	vor.u32 $0x300, v19;
	v35 =	vld.idx.msk [tilespmem:v35+s2+$0x0], $0xffff  }
0x13d: {  	v27 =	vor.u32 v25, v27  }
0x13e: {  	v34 =	vld.idx.msk [tilespmem:v34+s2+$0x0], $0xffff;
	_ =	sdelay $0x2  }
0x13f: {  	vm0 =	vgt.f32 v35, v33  }
0x140: {  	v27 =	vld.idx.msk [tilespmem:v27+s2+$0x0], $0xffff;
	v33 =	vsel vm0, v35, v33;
	v30 =	vsel vm0, v31, v30  }
0x141: {  	vm0 =	veq.f32 v34, v33;
	vm1 =	vlt.s32 v32, v30  }
0x142: {  	vm2 =	vgt.f32 v34, v33;
	vm0 =	vmand vm0, vm1  }
0x143: {  	vm0 =	vmor vm2, vm0  }
0x144: {  	v31 =	vsel vm0, v34, v33;
	v30 =	vsel vm0, v32, v30  }
0x145: {  	vm0 =	veq.f32 v27, v31;
	vm1 =	vlt.s32 v29, v30  }
0x146: {  	vm2 =	vgt.f32 v27, v31;
	vm0 =	vmand vm0, vm1  }
0x147: {  	vm0 =	vmor vm2, vm0  }
0x148: {  	v27 =	vsel vm0, v27, v31  }
0x149: {  	v31 =	vperm.xlane v27, v12;
	_ =	sdelay $0x1  }
0x14a: {  	v31 =	vmax.f32 v27, v31  }
0x14b: {  	v63 =	vperm.xlane v31, v13;
	_ =	sdelay $0x1  }
0x14c: {  	v31 =	vmax.f32 v31, v63  }
0x14d: {  	v32 =	vperm.xlane v31, v14;
	_ =	sdelay $0x1  }
0x14e: {  	v31 =	vmax.f32 v31, v32  }
0x14f: {  	v32 =	vperm.xlane v31, v15;
	_ =	sdelay $0x1  }
0x150: {  	v31 =	vmax.f32 v31, v32  }
0x151: {  	v29 =	vsel vm0, v29, v30;
	vm0 =	veq.f32 v27, v31  }
0x152: {  	v27 =	vnsel vm0, $0x40000000, v29  }
0x153: {  	v29 =	vperm.xlane v27, v12;
	_ =	sdelay $0x1  }
0x154: {  	vm0 =	vlt.s32 v27, v29  }
0x155: {  	v27 =	vsel vm0, v27, v29  }
0x156: {  	v29 =	vperm.xlane v27, v13;
	_ =	sdelay $0x1  }
0x157: {  	vm0 =	vlt.s32 v27, v29  }
0x158: {  	v27 =	vsel vm0, v27, v29  }
0x159: {  	v26 =	vshll.u32 v26, $0x4;
	v29 =	vperm.xlane v27, v14  }
0x15a: {  	v26 =	vor.u32 v28, v26  }
0x15b: {  	vm0 =	vlt.s32 v27, v29  }
0x15c: {  	v27 =	vsel vm0, v27, v29  }
0x15d: {  	v28 =	vperm.xlane v27, v15;
	_ =	sdelay $0x1  }
0x15e: {  	s14 =	simm.s32 $0x1F;
	[tilespmem:v26+s10+$0x0] =	vst.idx.msk $0x1, v31;
	vm0 =	vlt.s32 v27, v28  }
.LBB2_36:
0x15f: {  	p0 =	sne.s32 s14, $0x1;
	s14 =	sadd.s32 $0xFFFFFFFF, s14;
	v27 =	vsel vm0, v27, v28  }
0x160: {  	[tilespmem:v26+s11+$0x0] =	vst.idx.msk $0x1, v27  }
0x161: {  	v26 =	vld [tilespmem:$0x8000]  }
0x162: {  	v27 =	vld [tilespmem:$0x8010]  }
0x163: {  	v28 =	vld [tilespmem:$0x8110]  }
0x164: {  	v29 =	vld [tilespmem:$0x8100];
	_ =	sdelay $0x2  }
0x165: {  	vm0 =	vgt.f32 v27, v26;
	vm1 =	veq.f32 v27, v26;
	v30 =	vld [tilespmem:$0x8120]  }
0x166: {  	v31 =	vld [tilespmem:$0x8020]  }
0x167: {  	vm2 =	vlt.s32 v28, v29  }
0x168: {  	vm1 =	vmand vm1, vm2  }
0x169: {  	vm0 =	vmor vm0, vm1;
	v32 =	vld [tilespmem:$0x8130]  }
0x16a: {  	v26 =	vsel vm0, v27, v26;
	v27 =	vsel vm0, v28, v29;
	v28 =	vld [tilespmem:$0x8030]  }
0x16b: {  	vm0 =	vgt.f32 v31, v26;
	vm1 =	veq.f32 v31, v26;
	vm2 =	vlt.s32 v30, v27  }
0x16c: {  	vm1 =	vmand vm1, vm2  }
0x16d: {  	vm0 =	vmor vm0, vm1;
	v29 =	vld [tilespmem:$0x8140]  }
0x16e: {  	v26 =	vsel vm0, v31, v26;
	v27 =	vsel vm0, v30, v27;
	v30 =	vld [tilespmem:$0x8040]  }
0x16f: {  	vm0 =	veq.f32 v28, v26;
	vm1 =	vlt.s32 v32, v27  }
0x170: {  	vm2 =	vgt.f32 v28, v26;
	vm0 =	vmand vm0, vm1  }
0x171: {  	vm0 =	vmor vm2, vm0;
	v31 =	vld [tilespmem:$0x8150]  }
0x172: {  	v26 =	vsel vm0, v28, v26;
	v27 =	vsel vm0, v32, v27;
	v28 =	vld [tilespmem:$0x8050]  }
0x173: {  	vm0 =	veq.f32 v30, v26;
	vm1 =	vlt.s32 v29, v27  }
0x174: {  	vm2 =	vgt.f32 v30, v26;
	vm0 =	vmand vm0, vm1  }
0x175: {  	vm0 =	vmor vm2, vm0;
	v32 =	vld [tilespmem:$0x8160]  }
0x176: {  	v26 =	vsel vm0, v30, v26;
	v27 =	vsel vm0, v29, v27;
	v29 =	vld [tilespmem:$0x8060]  }
0x177: {  	vm0 =	veq.f32 v28, v26;
	vm1 =	vlt.s32 v31, v27  }
0x178: {  	vm2 =	vgt.f32 v28, v26;
	vm0 =	vmand vm0, vm1  }
0x179: {  	vm0 =	vmor vm2, vm0;
	v30 =	vld [tilespmem:$0x8170]  }
0x17a: {  	v26 =	vsel vm0, v28, v26;
	v27 =	vsel vm0, v31, v27;
	v28 =	vld [tilespmem:$0x8070]  }
0x17b: {  	vm0 =	vgt.f32 v29, v26;
	vm1 =	veq.f32 v29, v26;
	vm2 =	vlt.s32 v32, v27  }
0x17c: {  	vm1 =	vmand vm1, vm2  }
0x17d: {  	vm0 =	vmor vm0, vm1;
	v31 =	vld [tilespmem:$0x8180]  }
0x17e: {  	v26 =	vsel vm0, v29, v26;
	v27 =	vsel vm0, v32, v27;
	v29 =	vld [tilespmem:$0x8080]  }
0x17f: {  	vm0 =	veq.f32 v28, v26;
	vm1 =	vlt.s32 v30, v27  }
0x180: {  	vm2 =	vgt.f32 v28, v26;
	vm0 =	vmand vm0, vm1  }
0x181: {  	vm0 =	vmor vm2, vm0;
	v32 =	vld [tilespmem:$0x8190]  }
0x182: {  	v26 =	vsel vm0, v28, v26;
	v27 =	vsel vm0, v30, v27;
	v28 =	vld [tilespmem:$0x8090]  }
0x183: {  	vm0 =	veq.f32 v29, v26;
	vm1 =	vlt.s32 v31, v27  }
0x184: {  	vm2 =	vgt.f32 v29, v26;
	vm0 =	vmand vm0, vm1  }
0x185: {  	vm0 =	vmor vm2, vm0;
	v30 =	vld [tilespmem:$0x81A0]  }
0x186: {  	v26 =	vsel vm0, v29, v26;
	v27 =	vsel vm0, v31, v27;
	v29 =	vld [tilespmem:$0x80A0]  }
0x187: {  	vm0 =	veq.f32 v28, v26;
	vm1 =	vlt.s32 v32, v27  }
0x188: {  	vm2 =	vgt.f32 v28, v26;
	vm0 =	vmand vm0, vm1  }
0x189: {  	vm0 =	vmor vm2, vm0;
	v31 =	vld [tilespmem:$0x81B0]  }
0x18a: {  	v26 =	vsel vm0, v28, v26;
	v27 =	vsel vm0, v32, v27;
	v28 =	vld [tilespmem:$0x80B0]  }
0x18b: {  	vm0 =	veq.f32 v29, v26;
	vm1 =	vlt.s32 v30, v27  }
0x18c: {  	vm2 =	vgt.f32 v29, v26;
	vm0 =	vmand vm0, vm1  }
0x18d: {  	vm0 =	vmor vm2, vm0;
	v32 =	vld [tilespmem:$0x81C0]  }
0x18e: {  	v26 =	vsel vm0, v29, v26;
	v27 =	vsel vm0, v30, v27;
	v29 =	vld [tilespmem:$0x80C0]  }
0x18f: {  	vm0 =	vgt.f32 v28, v26;
	vm1 =	veq.f32 v28, v26;
	vm2 =	vlt.s32 v31, v27  }
0x190: {  	vm1 =	vmand vm1, vm2  }
0x191: {  	vm0 =	vmor vm0, vm1;
	v30 =	vld [tilespmem:$0x81D0]  }
0x192: {  	v26 =	vsel vm0, v28, v26;
	v27 =	vsel vm0, v31, v27;
	v28 =	vld [tilespmem:$0x80D0]  }
0x193: {  	vm0 =	veq.f32 v29, v26;
	vm1 =	vlt.s32 v32, v27  }
0x194: {  	vm2 =	vgt.f32 v29, v26;
	vm0 =	vmand vm0, vm1  }
0x195: {  	vm0 =	vmor vm2, vm0;
	v31 =	vld [tilespmem:$0x81E0]  }
0x196: {  	v26 =	vsel vm0, v29, v26;
	v27 =	vsel vm0, v32, v27;
	v29 =	vld [tilespmem:$0x80E0]  }
0x197: {  	vm0 =	veq.f32 v28, v26;
	vm1 =	vlt.s32 v30, v27  }
0x198: {  	vm2 =	vgt.f32 v28, v26;
	vm0 =	vmand vm0, vm1  }
0x199: {  	vm0 =	vmor vm2, vm0;
	v32 =	vld [tilespmem:$0x81F0]  }
0x19a: {  	v26 =	vsel vm0, v28, v26;
	v27 =	vsel vm0, v30, v27;
	v28 =	vld [tilespmem:$0x80F0]  }
0x19b: {  	vm0 =	veq.f32 v29, v26;
	vm1 =	vlt.s32 v31, v27  }
0x19c: {  	vm2 =	vgt.f32 v29, v26;
	vm0 =	vmand vm0, vm1  }
0x19d: {  	vm0 =	vmor vm2, vm0  }
0x19e: {  	v26 =	vsel vm0, v29, v26;
	v27 =	vsel vm0, v31, v27  }
0x19f: {  	vm0 =	veq.f32 v28, v26;
	vm1 =	vlt.s32 v32, v27  }
0x1a0: {  	vm2 =	vgt.f32 v28, v26;
	vm0 =	vmand vm0, vm1  }
0x1a1: {  	vm0 =	vmor vm2, vm0  }
0x1a2: {  	v26 =	vsel vm0, v28, v26;
	v27 =	vsel vm0, v32, v27  }
0x1a3: {  	v28 =	vperm.xlane v26, v12;
	_ =	sdelay $0x1  }
0x1a4: {  	v28 =	vmax.f32 v26, v28  }
0x1a5: {  	v29 =	vperm.xlane v28, v13;
	_ =	sdelay $0x1  }
0x1a6: {  	v28 =	vmax.f32 v28, v29  }
0x1a7: {  	v29 =	vperm.xlane v28, v14;
	_ =	sdelay $0x1  }
0x1a8: {  	v28 =	vmax.f32 v28, v29  }
0x1a9: {  	v29 =	vperm.xlane v28, v15;
	_ =	sdelay $0x1  }
0x1aa: {  	v28 =	vmax.f32 v28, v29  }
0x1ab: {  	vm0 =	veq.f32 v26, v28  }
0x1ac: {  	v26 =	vnsel vm0, $0x40000000, v27  }
0x1ad: {  	v27 =	vperm.xlane v26, v12;
	_ =	sdelay $0x1  }
0x1ae: {  	vm0 =	vlt.s32 v26, v27  }
0x1af: {  	v26 =	vsel vm0, v26, v27  }
0x1b0: {  	v27 =	vperm.xlane v26, v13;
	_ =	sdelay $0x1  }
0x1b1: {  	vm0 =	vlt.s32 v26, v27  }
0x1b2: {  	v26 =	vsel vm0, v26, v27  }
0x1b3: {  	v27 =	vperm.xlane v26, v14;
	_ =	sdelay $0x1  }
0x1b4: {  	vm0 =	vlt.s32 v26, v27  }
0x1b5: {  	v26 =	vsel vm0, v26, v27  }
0x1b6: {  	v27 =	vperm.xlane v26, v15;
	_ =	sdelay $0x1  }
0x1b7: {  	vm0 =	vlt.s32 v26, v27  }
0x1b8: {  	v26 =	vsel vm0, v26, v27  }
0x1b9: {  	v27 =	vshra.s32 v26, $0x1F;
	v29 =	vand.u32 $0x3FF, v26  }
0x1ba: {  	vm0 =	vlt.s32 v26, $0x1;
	v27 =	vshrl.u32 v27, $0x16;
	vm1 =	vne.s32 v29, $0x0  }
0x1bb: {  	v27 =	vadd.s32 v27, v26;
	vm0 =	vmand vm0, vm1  }
0x1bc: {  	v27 =	vshra.s32 v27, $0xA;
	v29 =	vsel vm0, $0xFFFFFFFF, v17  }
0x1bd: {  	[tilespmem:v26+s9+$0x0] =	vst.idx.msk $0x1, v28;
	v27 =	vadd.s32 v29, v27  }
0x1be: {  	[tilespmem:v26+s2+$0x0] =	vst.idx.msk $0x1, v16;
	v28 =	vshll.u32 v27, $0xA;
	v26 =	vand.u32 $0xF, v26  }
0x1bf: {  	v29 =	vor.u32 v26, v28  }
0x1c0: {  	v30 =	vor.u32 v18, v29;
	v31 =	vor.u32 v20, v29  }
0x1c1: {  	v34 =	vor.u32 v21, v29;
	v32 =	vand.u32 $0x7F, v30;
	v33 =	vand.u32 $0x7F, v31  }
0x1c2: {  	v35 =	vand.u32 $0x7F, v34;
	v32 =	vor.u32 v32, v28;
	v33 =	vor.u32 v33, v28  }
0x1c3: {  	v35 =	vor.u32 v35, v28;
	v32 =	vor.u32 v19, v32  }
0x1c4: {  	v33 =	vor.u32 v22, v33;
	v35 =	vor.u32 v23, v35;
	_ =	sdelay $0x1  }
0x1c5: {  	v29 =	vor.u32 v24, v29  }
0x1c6: {  	v36 =	vand.u32 $0x7F, v29  }
0x1c7: {  	v28 =	vor.u32 v36, v28;
	v32 =	vld.idx.msk [tilespmem:v32+s2+$0x0], $0xffff  }
0x1c8: {  	v28 =	vor.u32 v25, v28;
	v33 =	vld.idx.msk [tilespmem:v33+s2+$0x0], $0xffff;
	_ =	sdelay $0x1  }
0x1c9: {  	v35 =	vld.idx.msk [tilespmem:v35+s2+$0x0], $0xffff;
	_ =	sdelay $0x3  }
0x1ca: {  	vm0 =	vgt.f32 v33, v32;
	v28 =	vld.idx.msk [tilespmem:v28+s2+$0x0], $0xffff  }
0x1cb: {  	v32 =	vsel vm0, v33, v32;
	v30 =	vsel vm0, v31, v30  }
0x1cc: {  	vm0 =	veq.f32 v35, v32;
	vm1 =	vlt.s32 v34, v30  }
0x1cd: {  	vm2 =	vgt.f32 v35, v32;
	vm0 =	vmand vm0, vm1  }
0x1ce: {  	vm0 =	vmor vm2, vm0  }
0x1cf: {  	v31 =	vsel vm0, v35, v32;
	v30 =	vsel vm0, v34, v30  }
0x1d0: {  	vm0 =	vgt.f32 v28, v31;
	vm1 =	veq.f32 v28, v31;
	vm2 =	vlt.s32 v29, v30  }
0x1d1: {  	vm1 =	vmand vm1, vm2  }
0x1d2: {  	vm0 =	vmor vm0, vm1  }
0x1d3: {  	v28 =	vsel vm0, v28, v31;
	v29 =	vsel vm0, v29, v30  }
0x1d4: {  	v30 =	vperm.xlane v28, v12;
	_ =	sdelay $0x1  }
0x1d5: {  	v30 =	vmax.f32 v28, v30  }
0x1d6: {  	v31 =	vperm.xlane v30, v13;
	_ =	sdelay $0x1  }
0x1d7: {  	v30 =	vmax.f32 v30, v31  }
0x1d8: {  	v27 =	vshll.u32 v27, $0x4;
	v31 =	vperm.xlane v30, v14  }
0x1d9: {  	v26 =	vor.u32 v26, v27  }
0x1da: {  	v27 =	vmax.f32 v30, v31  }
0x1db: {  	v30 =	vperm.xlane v27, v15;
	_ =	sdelay $0x1  }
0x1dc: {  	v27 =	vmax.f32 v27, v30  }
0x1dd: {  	vm0 =	veq.f32 v28, v27;
	[tilespmem:v26+s10+$0x0] =	vst.idx.msk $0x1, v27  }
0x1de: {  	v27 =	vnsel vm0, $0x40000000, v29  }
0x1df: {  	v28 =	vperm.xlane v27, v12;
	_ =	sdelay $0x1  }
0x1e0: {  	vm0 =	vlt.s32 v27, v28  }
0x1e1: {  	v27 =	vsel vm0, v27, v28  }
0x1e2: {  	v28 =	vperm.xlane v27, v13;
	_ =	sdelay $0x1  }
0x1e3: {  	vm0 =	vlt.s32 v27, v28  }
0x1e4: {  	v27 =	vsel vm0, v27, v28  }
0x1e5: {  	v28 =	vperm.xlane v27, v14;
	_ =	sdelay $0x1  }
.Ltmp17:
0x1e6: {  	vm0 =	vlt.s32 v27, v28;
	(pc) =	sbr.rel @p0 .LBB2_36-.Ltmp17, $3  }
0x1e7: {  	v27 =	vsel vm0, v27, v28  }
0x1e8: {  	v28 =	vperm.xlane v27, v15;
	_ =	sdelay $0x1  }
0x1e9: {  	vm0 =	vlt.s32 v27, v28  }
0x1ea: {  	_ =	sdelay $0x1  }
0x1eb: {  	s13 =	sadd.s32 $0x1, s13  }
0x1ec: {  	v18 =	vsel vm0, v27, v28;
	p0 =	sne.s32 s13, s5  }
.Ltmp18:
0x1ed: {  	[tilespmem:v26+s11+$0x0] =	vst.idx.msk $0x1, v18;
	(pc) =	sbr.rel @p0 .LBB2_1-.Ltmp18, $4  }
0x1ee: {  	[hbm4b:s4+s6] =	stream.strided.scatter [tilespmem:s9], [sflag:$0x2], $0x4000, s7, s6, $0x38;
	[tilespmem:$0x8200] =	vst v63  }
0x1ef: {  	_ =	swait.ge [sflag:s12], $0x4000  }
0x1f0: {  	[sflag:s12] =	ssyncset.done $0x0  }
0x1f1: {  	[sflag:s12] =	ssyncadd.s32 $0xFFFFC000  }
0x1f2: {  	_ =	sfence.sel $0x180000  }
0x1f3: {  	[bflag:$0x0] =	sbarrier.arrive $0xFFFF  }
0x1f4: {  	p0 =	sne.s32 s0, $0x0;
	_ =	strace $0x90000047  }
0x1f5: {  	s0 =	sadd.s32 @!p0 $0x100000, s1;
	[bflag:$0x2] =	sbarrier.arrive $0xFFFF  }
0x1f6: {  	[sflag:s0] =	ssyncadd.tile.s32 @!p0 $0x1;
	_ =	shalt  }
.Lfunc_end2:
_tile_overlayer_lowered:
.L_overlay_start_2:
0x1f7: {  	(tag) =	ssettag $0x2  }
0x1f8: {  	s0 =	rddreg [dreg:$0x0];
	s2 =	stileid.u32  }
0x1f9: {  	s1 =	rddreg [dreg:$0x1];
	p0 =	sne.s32 s2, $0x0  }
0x1fa: {  	s3 =	rddreg [dreg:$0x2];
	[bflag:$0x3] =	sbarrier.arrive $0xFFFF;
	s2 =	simm.s32 @!p0 $0x1C02  }
0x1fb: {  	[timem:s3], [sflag:s2] =	dma.local @!p0 [hbm:s0], s1  }
0x1fc: {  	s0 =	simm.s32 @!p0 $0x2  }
0x1fd: {  	_ =	swait.ge @!p0 [sflag:s0], s1  }
0x1fe: {  	s1 =	ssub.s32 @!p0 $0x0, s1;
	[sflag:s0] =	ssyncset.done @!p0 $0x0  }
0x1ff: {  	[sflag:s0] =	ssyncadd.s32 @!p0 s1  }
0x200: {  	[bflag:$0x3] =	sbarrier.arrive $0xFFFF  }
0x201: {  	_ =	shalt  }

</sc_bundles>
